<compile_context>
chip_gen: v7x
topology: tpu7x:2x2x1
jax: 0.10.2.dev20260603
libtpu: 0.0.44.dev20260713+nightly
codegen_flags: <defaults>
</compile_context>

<pallas_src>
import jax
import jax.numpy as jnp
from jax import lax
from jax.experimental import pallas as pl
from jax.experimental.pallas import tpu as pltpu
from jax.experimental.pallas import tpu_sc as plsc

N_LIC = 10000
N_EMP = 50000
D = 128
H = 128
E = 250000

NC = 2
NS = 16
NW = NC * NS

T_E = 8192
E_PAD = T_E * NW
G = 128
HALF = T_E // 2
N_CHUNKS = HALF // G
N_ITERS = N_CHUNKS // 2
ROWS_PER_TILE = 632
N_PAD = ROWS_PER_TILE * NS

R_BLK = 1000


def _sc_agg_body(x_emp, src_hbm, dst2d_hbm, acc_out, cnt0_out, cnt1_out,
                 src_all, dst2d, b2, ones_v, zc, acc_sh, cnt_sh, g0):
    c = lax.axis_index("c")
    s = lax.axis_index("s")
    wid = c * NS + s
    rbase = s * ROWS_PER_TILE

    @pl.loop(0, 2 * G)
    def _zero_rows(i):
        for j in range(D // 16):
            b2[i, pl.ds(j * 16, 16)] = jnp.zeros((16,), jnp.float32)

    @pl.loop(0, ROWS_PER_TILE // 16)
    def _zero_zc(i):
        zc[pl.ds(i * 16, 16)] = jnp.zeros((16,), jnp.float32)

    for j in range(128 // 16):
        ones_v[pl.ds(j * 16, 16)] = jnp.full((16,), 1.0, jnp.float32)

    for q in range(2):
        pltpu.sync_copy(b2, acc_sh.at[pl.ds(rbase + q * 2 * G, 2 * G)])
    pltpu.sync_copy(b2.at[pl.ds(0, ROWS_PER_TILE - 4 * G)],
                    acc_sh.at[pl.ds(rbase + 4 * G, ROWS_PER_TILE - 4 * G)])
    pltpu.sync_copy(zc, cnt_sh.at[pl.ds(rbase, ROWS_PER_TILE)])
    plsc.subcore_barrier()

    for h in range(2):
        pltpu.sync_copy(src_hbm.at[pl.ds(wid * T_E + h * HALF, HALF)], src_all)
        pltpu.sync_copy(
            dst2d_hbm.at[pl.ds(wid * (T_E // 128) + h * (HALF // 128),
                               HALF // 128)], dst2d)

        @pl.loop(0, N_ITERS)
        def _pipe(i):
            dg = pltpu.make_async_copy(
                x_emp.at[src_all.at[pl.ds(i * 2 * G, 2 * G)]], b2, g0)
            dg.start()
            dg.wait()
            for j in range(2):
                pltpu.sync_copy(b2.at[pl.ds(j * G, G)],
                                acc_sh.at[dst2d.at[2 * i + j]], add=True)
                pltpu.sync_copy(ones_v, cnt_sh.at[dst2d.at[2 * i + j]],
                                add=True)

    plsc.subcore_barrier()

    pltpu.sync_copy(acc_sh.at[pl.ds(rbase, ROWS_PER_TILE)],
                    acc_out.at[c, pl.ds(rbase, ROWS_PER_TILE)])

    pltpu.sync_copy(cnt_sh.at[pl.ds(rbase, ROWS_PER_TILE)], zc)

    @pl.when(c == 0)
    def _():
        pltpu.sync_copy(zc, cnt0_out.at[pl.ds(rbase, ROWS_PER_TILE)])

    @pl.when(c == 1)
    def _():
        pltpu.sync_copy(zc, cnt1_out.at[pl.ds(rbase, ROWS_PER_TILE)])


def _sc_agg(x_emp, src_p, dst2d):
    mesh = plsc.VectorSubcoreMesh(core_axis_name="c", subcore_axis_name="s",
                                  num_cores=NC, num_subcores=NS)
    fn = pl.kernel(
        _sc_agg_body,
        out_type=[
            jax.ShapeDtypeStruct((NC, N_PAD, D), jnp.float32),
            jax.ShapeDtypeStruct((N_PAD,), jnp.float32),
            jax.ShapeDtypeStruct((N_PAD,), jnp.float32),
        ],
        mesh=mesh,
        scratch_types=[
            pltpu.VMEM((HALF,), jnp.int32),
            pltpu.VMEM((HALF // 128, 128), jnp.int32),
            pltpu.VMEM((2 * G, D), jnp.float32),
            pltpu.VMEM((128,), jnp.float32),
            pltpu.VMEM((ROWS_PER_TILE,), jnp.float32),
            pltpu.VMEM_SHARED((N_PAD, D), jnp.float32),
            pltpu.VMEM_SHARED((N_PAD,), jnp.float32),
            pltpu.SemaphoreType.DMA,
        ],
    )
    return fn(x_emp, src_p, dst2d)


def _tc_body(acc_ref, cnt0_ref, cnt1_ref, x_ref, wl_ref, wr_ref, b_ref, out_ref):
    acc = acc_ref[0] + acc_ref[1]
    cnt = cnt0_ref[...] + cnt1_ref[...]
    mean = acc / jnp.maximum(cnt, 1.0)
    out = (jnp.dot(mean, wl_ref[...], preferred_element_type=jnp.float32)
           + b_ref[...]
           + jnp.dot(x_ref[...], wr_ref[...], preferred_element_type=jnp.float32))
    out_ref[...] = jnp.maximum(out, 0.0)


def _tc_combine(acc, cnt0, cnt1, x_lic, wl, wr, b2):
    return pl.pallas_call(
        _tc_body,
        grid=(N_LIC // R_BLK,),
        in_specs=[
            pl.BlockSpec((NC, R_BLK, D), lambda i: (0, i, 0)),
            pl.BlockSpec((R_BLK, 1), lambda i: (i, 0)),
            pl.BlockSpec((R_BLK, 1), lambda i: (i, 0)),
            pl.BlockSpec((R_BLK, D), lambda i: (i, 0)),
            pl.BlockSpec((D, H), lambda i: (0, 0)),
            pl.BlockSpec((D, H), lambda i: (0, 0)),
            pl.BlockSpec((1, H), lambda i: (0, 0)),
        ],
        out_specs=pl.BlockSpec((R_BLK, H), lambda i: (i, 0)),
        out_shape=jax.ShapeDtypeStruct((N_LIC, H), jnp.float32),
    )(acc, cnt0, cnt1, x_lic, wl, wr, b2)


def kernel(x_licitacion, x_empresa, edge_participa_src, edge_participa_dst,
           edge_rev_participa_src, edge_rev_participa_dst,
           W_l_p, W_r_p, b_p, W_l_r, W_r_r, b_r):
    src = edge_participa_src.astype(jnp.int32)
    dst = edge_participa_dst.astype(jnp.int32)
    src_p = jnp.concatenate([src, jnp.zeros((E_PAD - E,), jnp.int32)])
    dst_p = jnp.concatenate([dst, jnp.full((E_PAD - E,), N_LIC, jnp.int32)])
    dst2d = dst_p.reshape(E_PAD // 128, 128)

    acc, cnt0, cnt1 = _sc_agg(x_empresa, src_p, dst2d)
    return _tc_combine(acc, cnt0.reshape(N_PAD, 1), cnt1.reshape(N_PAD, 1),
                       x_licitacion, W_l_p, W_r_p, b_p.reshape(1, H))

# --- scband reference (transcript-rebuilt; emitter-appended) ---
"""Pipeline reference for scband-licitacion-gnn-8839042695664 (READ-ONLY COPY).

The authoritative reference and input builder live on the scoring server;
editing this copy changes nothing except your own understanding.
"""

import jax, jax.numpy as jnp
import numpy as np

N_LIC = 10000
N_EMP = 50000
D = 128
H = 128
E = 250000


def setup_inputs(seed: int = 0) -> dict:
    key = jax.random.key(seed)
    ks = jax.random.split(key, 12)
    x_licitacion = jax.random.normal(ks[0], (N_LIC, D), dtype=jnp.float32)
    x_empresa = jax.random.normal(ks[1], (N_EMP, D), dtype=jnp.float32)
    edge_participa_src = jax.random.randint(ks[2], (E,), 0, N_EMP, dtype=jnp.int64) if jax.config.jax_enable_x64 else jax.random.randint(ks[2], (E,), 0, N_EMP)
    edge_participa_dst = jax.random.randint(ks[3], (E,), 0, N_LIC)
    edge_rev_participa_src = jax.random.randint(ks[4], (E,), 0, N_LIC)
    edge_rev_participa_dst = jax.random.randint(ks[5], (E,), 0, N_EMP)
    scale = 1.0 / np.sqrt(D)
    # SAGEConv params for edge type ('empresa','participa','licitacion')
    W_l_p = jax.random.uniform(ks[6], (D, H), jnp.float32, -scale, scale)
    W_r_p = jax.random.uniform(ks[7], (D, H), jnp.float32, -scale, scale)
    b_p = jax.random.uniform(ks[8], (H,), jnp.float32, -scale, scale)
    # SAGEConv params for edge type ('licitacion','rev_participa','empresa')
    W_l_r = jax.random.uniform(ks[9], (D, H), jnp.float32, -scale, scale)
    W_r_r = jax.random.uniform(ks[10], (D, H), jnp.float32, -scale, scale)
    b_r = jax.random.uniform(ks[11], (H,), jnp.float32, -scale, scale)
    return {
        "x_licitacion": x_licitacion,
        "x_empresa": x_empresa,
        "edge_participa_src": edge_participa_src,
        "edge_participa_dst": edge_participa_dst,
        "edge_rev_participa_src": edge_rev_participa_src,
        "edge_rev_participa_dst": edge_rev_participa_dst,
        "W_l_p": W_l_p, "W_r_p": W_r_p, "b_p": b_p,
        "W_l_r": W_l_r, "W_r_r": W_r_r, "b_r": b_r,
    }


def _sage_conv(x_src, x_dst, src_idx, dst_idx, W_l, W_r, b, n_dst):
    # PyG SAGEConv with aggr='mean', root_weight=True, lin_l has bias
    msgs = jnp.take(x_src, src_idx, axis=0)
    agg = jax.ops.segment_sum(msgs, dst_idx, num_segments=n_dst)
    cnt = jax.ops.segment_sum(jnp.ones((src_idx.shape[0],), jnp.float32), dst_idx, num_segments=n_dst)
    agg = agg / jnp.maximum(cnt, 1.0)[:, None]
    return agg @ W_l + b + x_dst @ W_r


def reference(x_licitacion, x_empresa, edge_participa_src, edge_participa_dst,
              edge_rev_participa_src, edge_rev_participa_dst,
              W_l_p, W_r_p, b_p, W_l_r, W_r_r, b_r):
    # to_hetero(SAGEConv, aggr='mean'): each node type here has exactly one
    # incoming edge type, so cross-relation mean is the identity.
    out_lic = _sage_conv(x_empresa, x_licitacion, edge_participa_src, edge_participa_dst,
                         W_l_p, W_r_p, b_p, N_LIC)
    out_emp = _sage_conv(x_licitacion, x_empresa, edge_rev_participa_src, edge_rev_participa_dst,
                         W_l_r, W_r_r, b_r, N_EMP)
    out_lic = jax.nn.relu(out_lic)
    out_emp = jax.nn.relu(out_emp)  # computed by module but discarded (forward returns only 'licitacion')
    return out_lic

if __name__ == "__main__":
    import jax
    _d = setup_inputs()
    print(jax.jit(kernel)(*tuple(_d.values())))

</pallas_src>

<mosaic_0001>
#map = affine_map<(d0, d1) -> (0, 0)>
#map1 = affine_map<(d0, d1) -> (0)>
#map2 = affine_map<(d0, d1) -> (0, 0, 0)>
module attributes {stable_mosaic.version = 14 : i64} {
  func.func @_sc_agg_body(%arg0: i32, %arg1: i32, %arg2: memref<50000x128xf32, #tpu.memory_space<hbm>>, %arg3: memref<262144xi32, #tpu.memory_space<hbm>>, %arg4: memref<2048x128xi32, #tpu.memory_space<hbm>>, %arg5: memref<2x10112x128xf32, #tpu.memory_space<hbm>>, %arg6: memref<10112xf32, #tpu.memory_space<hbm>>, %arg7: memref<10112xf32, #tpu.memory_space<hbm>>, %arg8: memref<4096xi32, #tpu.memory_space<vmem>>, %arg9: memref<32x128xi32, #tpu.memory_space<vmem>>, %arg10: memref<256x128xf32, #tpu.memory_space<vmem>>, %arg11: memref<128xf32, #tpu.memory_space<vmem>>, %arg12: memref<632xf32, #tpu.memory_space<vmem>>, %arg13: memref<10112x128xf32, #tpu.memory_space<vmem_shared>>, %arg14: memref<10112xf32, #tpu.memory_space<vmem_shared>>, %arg15: memref<!tpu.dma_semaphore, #tpu.memory_space<semaphore_mem>>) attributes {dimension_semantics = [#tpu.dimension_semantics<core_parallel>, #tpu.dimension_semantics<subcore_parallel>], iteration_bounds = array<i64: 2, 16>, scalar_prefetch = 0 : i64, scratch_operands = 8 : i64, tpu.core_type = #tpu.core_type<sc_vector_subcore>, window_params = [{transform_indices = #map}, {transform_indices = #map1}, {transform_indices = #map}, {transform_indices = #map2}, {transform_indices = #map1}, {transform_indices = #map1}]} {
    %mul3A = arith.constant 16 : i32
    %mul3A_0 = arith.muli %arg0, %mul3A : i32
    %add3A = arith.addi %mul3A_0, %arg1 : i32
    %mul3A_1 = arith.constant 632 : i32
    %mul3A_2 = arith.muli %arg1, %mul3A_1 : i32
    %scan3A = arith.constant 0 : i32
    %scan3A_3 = arith.constant 256 : i32
    %scan3A_4 = arith.addi %scan3A, %scan3A_3 : i32
    %scan3A_5 = arith.constant 1 : i32
    scf.for %scan3A_98 = %scan3A to %scan3A_4 step %scan3A_5  : i32 {
      %mul3A_99 = arith.constant 1 : i32
      %mul3A_100 = arith.muli %scan3A_98, %mul3A_99 : i32
      %add3A_101 = arith.constant 0 : i32
      %add3A_102 = arith.addi %add3A_101, %mul3A_100 : i32
      %broadcast_in_dim3A_103 = arith.constant 0.000000e+00 : f32
      %broadcast_in_dim3A_104 = vector.broadcast %broadcast_in_dim3A_103 : f32 to vector<16xf32>
      %swap3A_105 = arith.index_cast %add3A_102 : i32 to index
      %swap3A_106 = arith.constant 0 : index
      %swap3A_107 = tpu.vector_load %arg10[%swap3A_105, %swap3A_106] {strides = array<i32>} : memref<256x128xf32, #tpu.memory_space<vmem>>, vector<1x16xf32>,
      %swap3A_108 = vector.shape_cast %swap3A_107 : vector<1x16xf32> to vector<16xf32>
      %swap3A_109 = vector.shape_cast %broadcast_in_dim3A_104 : vector<16xf32> to vector<1x16xf32>
      tpu.vector_store %arg10[%swap3A_105, %swap3A_106], %swap3A_109 {strides = array<i32>} : memref<256x128xf32, #tpu.memory_space<vmem>>, vector<1x16xf32>,
      %broadcast_in_dim3A_110 = arith.constant 0.000000e+00 : f32
      %broadcast_in_dim3A_111 = vector.broadcast %broadcast_in_dim3A_110 : f32 to vector<16xf32>
      %swap3A_112 = arith.index_cast %add3A_102 : i32 to index
      %swap3A_113 = arith.constant 16 : index
      %swap3A_114 = tpu.vector_load %arg10[%swap3A_112, %swap3A_113] {strides = array<i32>} : memref<256x128xf32, #tpu.memory_space<vmem>>, vector<1x16xf32>,
      %swap3A_115 = vector.shape_cast %swap3A_114 : vector<1x16xf32> to vector<16xf32>
      %swap3A_116 = vector.shape_cast %broadcast_in_dim3A_111 : vector<16xf32> to vector<1x16xf32>
      tpu.vector_store %arg10[%swap3A_112, %swap3A_113], %swap3A_116 {strides = array<i32>} : memref<256x128xf32, #tpu.memory_space<vmem>>, vector<1x16xf32>,
      %broadcast_in_dim3A_117 = arith.constant 0.000000e+00 : f32
      %broadcast_in_dim3A_118 = vector.broadcast %broadcast_in_dim3A_117 : f32 to vector<16xf32>
      %swap3A_119 = arith.index_cast %add3A_102 : i32 to index
      %swap3A_120 = arith.constant 32 : index
      %swap3A_121 = tpu.vector_load %arg10[%swap3A_119, %swap3A_120] {strides = array<i32>} : memref<256x128xf32, #tpu.memory_space<vmem>>, vector<1x16xf32>,
      %swap3A_122 = vector.shape_cast %swap3A_121 : vector<1x16xf32> to vector<16xf32>
      %swap3A_123 = vector.shape_cast %broadcast_in_dim3A_118 : vector<16xf32> to vector<1x16xf32>
      tpu.vector_store %arg10[%swap3A_119, %swap3A_120], %swap3A_123 {strides = array<i32>} : memref<256x128xf32, #tpu.memory_space<vmem>>, vector<1x16xf32>,
      %broadcast_in_dim3A_124 = arith.constant 0.000000e+00 : f32
      %broadcast_in_dim3A_125 = vector.broadcast %broadcast_in_dim3A_124 : f32 to vector<16xf32>
      %swap3A_126 = arith.index_cast %add3A_102 : i32 to index
      %swap3A_127 = arith.constant 48 : index
      %swap3A_128 = tpu.vector_load %arg10[%swap3A_126, %swap3A_127] {strides = array<i32>} : memref<256x128xf32, #tpu.memory_space<vmem>>, vector<1x16xf32>,
      %swap3A_129 = vector.shape_cast %swap3A_128 : vector<1x16xf32> to vector<16xf32>
      %swap3A_130 = vector.shape_cast %broadcast_in_dim3A_125 : vector<16xf32> to vector<1x16xf32>
      tpu.vector_store %arg10[%swap3A_126, %swap3A_127], %swap3A_130 {strides = array<i32>} : memref<256x128xf32, #tpu.memory_space<vmem>>, vector<1x16xf32>,
      %broadcast_in_dim3A_131 = arith.constant 0.000000e+00 : f32
      %broadcast_in_dim3A_132 = vector.broadcast %broadcast_in_dim3A_131 : f32 to vector<16xf32>
      %swap3A_133 = arith.index_cast %add3A_102 : i32 to index
      %swap3A_134 = arith.constant 64 : index
      %swap3A_135 = tpu.vector_load %arg10[%swap3A_133, %swap3A_134] {strides = array<i32>} : memref<256x128xf32, #tpu.memory_space<vmem>>, vector<1x16xf32>,
      %swap3A_136 = vector.shape_cast %swap3A_135 : vector<1x16xf32> to vector<16xf32>
      %swap3A_137 = vector.shape_cast %broadcast_in_dim3A_132 : vector<16xf32> to vector<1x16xf32>
      tpu.vector_store %arg10[%swap3A_133, %swap3A_134], %swap3A_137 {strides = array<i32>} : memref<256x128xf32, #tpu.memory_space<vmem>>, vector<1x16xf32>,
      %broadcast_in_dim3A_138 = arith.constant 0.000000e+00 : f32
      %broadcast_in_dim3A_139 = vector.broadcast %broadcast_in_dim3A_138 : f32 to vector<16xf32>
      %swap3A_140 = arith.index_cast %add3A_102 : i32 to index
      %swap3A_141 = arith.constant 80 : index
      %swap3A_142 = tpu.vector_load %arg10[%swap3A_140, %swap3A_141] {strides = array<i32>} : memref<256x128xf32, #tpu.memory_space<vmem>>, vector<1x16xf32>,
      %swap3A_143 = vector.shape_cast %swap3A_142 : vector<1x16xf32> to vector<16xf32>
      %swap3A_144 = vector.shape_cast %broadcast_in_dim3A_139 : vector<16xf32> to vector<1x16xf32>
      tpu.vector_store %arg10[%swap3A_140, %swap3A_141], %swap3A_144 {strides = array<i32>} : memref<256x128xf32, #tpu.memory_space<vmem>>, vector<1x16xf32>,
      %broadcast_in_dim3A_145 = arith.constant 0.000000e+00 : f32
      %broadcast_in_dim3A_146 = vector.broadcast %broadcast_in_dim3A_145 : f32 to vector<16xf32>
      %swap3A_147 = arith.index_cast %add3A_102 : i32 to index
      %swap3A_148 = arith.constant 96 : index
      %swap3A_149 = tpu.vector_load %arg10[%swap3A_147, %swap3A_148] {strides = array<i32>} : memref<256x128xf32, #tpu.memory_space<vmem>>, vector<1x16xf32>,
      %swap3A_150 = vector.shape_cast %swap3A_149 : vector<1x16xf32> to vector<16xf32>
      %swap3A_151 = vector.shape_cast %broadcast_in_dim3A_146 : vector<16xf32> to vector<1x16xf32>
      tpu.vector_store %arg10[%swap3A_147, %swap3A_148], %swap3A_151 {strides = array<i32>} : memref<256x128xf32, #tpu.memory_space<vmem>>, vector<1x16xf32>,
      %broadcast_in_dim3A_152 = arith.constant 0.000000e+00 : f32
      %broadcast_in_dim3A_153 = vector.broadcast %broadcast_in_dim3A_152 : f32 to vector<16xf32>
      %swap3A_154 = arith.index_cast %add3A_102 : i32 to index
      %swap3A_155 = arith.constant 112 : index
      %swap3A_156 = tpu.vector_load %arg10[%swap3A_154, %swap3A_155] {strides = array<i32>} : memref<256x128xf32, #tpu.memory_space<vmem>>, vector<1x16xf32>,
      %swap3A_157 = vector.shape_cast %swap3A_156 : vector<1x16xf32> to vector<16xf32>
      %swap3A_158 = vector.shape_cast %broadcast_in_dim3A_153 : vector<16xf32> to vector<1x16xf32>
      tpu.vector_store %arg10[%swap3A_154, %swap3A_155], %swap3A_158 {strides = array<i32>} : memref<256x128xf32, #tpu.memory_space<vmem>>, vector<1x16xf32>,
    }
    %scan3A_6 = arith.constant 256 : i32
    %scan3A_7 = arith.constant 0 : i32
    %scan3A_8 = arith.constant 39 : i32
    %scan3A_9 = arith.addi %scan3A_7, %scan3A_8 : i32
    %scan3A_10 = arith.constant 1 : i32
    scf.for %scan3A_98 = %scan3A_7 to %scan3A_9 step %scan3A_10  : i32 {
      %mul3A_99 = arith.constant 1 : i32
      %mul3A_100 = arith.muli %scan3A_98, %mul3A_99 : i32
      %add3A_101 = arith.constant 0 : i32
      %add3A_102 = arith.addi %add3A_101, %mul3A_100 : i32
      %broadcast_in_dim3A_103 = arith.constant 0.000000e+00 : f32
      %broadcast_in_dim3A_104 = vector.broadcast %broadcast_in_dim3A_103 : f32 to vector<16xf32>
      %mul3A_105 = arith.constant 16 : i32
      %mul3A_106 = arith.muli %add3A_102, %mul3A_105 : i32
      %swap3A_107 = arith.index_cast %mul3A_106 : i32 to index
      %swap3A_108 = tpu.vector_load %arg12[%swap3A_107] {strides = array<i32>} : memref<632xf32, #tpu.memory_space<vmem>>, vector<16xf32>,
      %swap3A_109 = vector.shape_cast %swap3A_108 : vector<16xf32> to vector<16xf32>
      %swap3A_110 = vector.shape_cast %broadcast_in_dim3A_104 : vector<16xf32> to vector<16xf32>
      tpu.vector_store %arg12[%swap3A_107], %swap3A_110 {strides = array<i32>} : memref<632xf32, #tpu.memory_space<vmem>>, vector<16xf32>,
    }
    %scan3A_11 = arith.constant 39 : i32
    %broadcast_in_dim3A = arith.constant 1.000000e+00 : f32
    %broadcast_in_dim3A_12 = vector.broadcast %broadcast_in_dim3A : f32 to vector<16xf32>
    %swap3A = arith.constant 0 : index
    %swap3A_13 = tpu.vector_load %arg11[%swap3A] {strides = array<i32>} : memref<128xf32, #tpu.memory_space<vmem>>, vector<16xf32>,
    %swap3A_14 = vector.shape_cast %swap3A_13 : vector<16xf32> to vector<16xf32>
    %swap3A_15 = vector.shape_cast %broadcast_in_dim3A_12 : vector<16xf32> to vector<16xf32>
    tpu.vector_store %arg11[%swap3A], %swap3A_15 {strides = array<i32>} : memref<128xf32, #tpu.memory_space<vmem>>, vector<16xf32>,
    %broadcast_in_dim3A_16 = arith.constant 1.000000e+00 : f32
    %broadcast_in_dim3A_17 = vector.broadcast %broadcast_in_dim3A_16 : f32 to vector<16xf32>
    %swap3A_18 = arith.constant 16 : index
    %swap3A_19 = tpu.vector_load %arg11[%swap3A_18] {strides = array<i32>} : memref<128xf32, #tpu.memory_space<vmem>>, vector<16xf32>,
    %swap3A_20 = vector.shape_cast %swap3A_19 : vector<16xf32> to vector<16xf32>
    %swap3A_21 = vector.shape_cast %broadcast_in_dim3A_17 : vector<16xf32> to vector<16xf32>
    tpu.vector_store %arg11[%swap3A_18], %swap3A_21 {strides = array<i32>} : memref<128xf32, #tpu.memory_space<vmem>>, vector<16xf32>,
    %broadcast_in_dim3A_22 = arith.constant 1.000000e+00 : f32
    %broadcast_in_dim3A_23 = vector.broadcast %broadcast_in_dim3A_22 : f32 to vector<16xf32>
    %swap3A_24 = arith.constant 32 : index
    %swap3A_25 = tpu.vector_load %arg11[%swap3A_24] {strides = array<i32>} : memref<128xf32, #tpu.memory_space<vmem>>, vector<16xf32>,
    %swap3A_26 = vector.shape_cast %swap3A_25 : vector<16xf32> to vector<16xf32>
    %swap3A_27 = vector.shape_cast %broadcast_in_dim3A_23 : vector<16xf32> to vector<16xf32>
    tpu.vector_store %arg11[%swap3A_24], %swap3A_27 {strides = array<i32>} : memref<128xf32, #tpu.memory_space<vmem>>, vector<16xf32>,
    %broadcast_in_dim3A_28 = arith.constant 1.000000e+00 : f32
    %broadcast_in_dim3A_29 = vector.broadcast %broadcast_in_dim3A_28 : f32 to vector<16xf32>
    %swap3A_30 = arith.constant 48 : index
    %swap3A_31 = tpu.vector_load %arg11[%swap3A_30] {strides = array<i32>} : memref<128xf32, #tpu.memory_space<vmem>>, vector<16xf32>,
    %swap3A_32 = vector.shape_cast %swap3A_31 : vector<16xf32> to vector<16xf32>
    %swap3A_33 = vector.shape_cast %broadcast_in_dim3A_29 : vector<16xf32> to vector<16xf32>
    tpu.vector_store %arg11[%swap3A_30], %swap3A_33 {strides = array<i32>} : memref<128xf32, #tpu.memory_space<vmem>>, vector<16xf32>,
    %broadcast_in_dim3A_34 = arith.constant 1.000000e+00 : f32
    %broadcast_in_dim3A_35 = vector.broadcast %broadcast_in_dim3A_34 : f32 to vector<16xf32>
    %swap3A_36 = arith.constant 64 : index
    %swap3A_37 = tpu.vector_load %arg11[%swap3A_36] {strides = array<i32>} : memref<128xf32, #tpu.memory_space<vmem>>, vector<16xf32>,
    %swap3A_38 = vector.shape_cast %swap3A_37 : vector<16xf32> to vector<16xf32>
    %swap3A_39 = vector.shape_cast %broadcast_in_dim3A_35 : vector<16xf32> to vector<16xf32>
    tpu.vector_store %arg11[%swap3A_36], %swap3A_39 {strides = array<i32>} : memref<128xf32, #tpu.memory_space<vmem>>, vector<16xf32>,
    %broadcast_in_dim3A_40 = arith.constant 1.000000e+00 : f32
    %broadcast_in_dim3A_41 = vector.broadcast %broadcast_in_dim3A_40 : f32 to vector<16xf32>
    %swap3A_42 = arith.constant 80 : index
    %swap3A_43 = tpu.vector_load %arg11[%swap3A_42] {strides = array<i32>} : memref<128xf32, #tpu.memory_space<vmem>>, vector<16xf32>,
    %swap3A_44 = vector.shape_cast %swap3A_43 : vector<16xf32> to vector<16xf32>
    %swap3A_45 = vector.shape_cast %broadcast_in_dim3A_41 : vector<16xf32> to vector<16xf32>
    tpu.vector_store %arg11[%swap3A_42], %swap3A_45 {strides = array<i32>} : memref<128xf32, #tpu.memory_space<vmem>>, vector<16xf32>,
    %broadcast_in_dim3A_46 = arith.constant 1.000000e+00 : f32
    %broadcast_in_dim3A_47 = vector.broadcast %broadcast_in_dim3A_46 : f32 to vector<16xf32>
    %swap3A_48 = arith.constant 96 : index
    %swap3A_49 = tpu.vector_load %arg11[%swap3A_48] {strides = array<i32>} : memref<128xf32, #tpu.memory_space<vmem>>, vector<16xf32>,
    %swap3A_50 = vector.shape_cast %swap3A_49 : vector<16xf32> to vector<16xf32>
    %swap3A_51 = vector.shape_cast %broadcast_in_dim3A_47 : vector<16xf32> to vector<16xf32>
    tpu.vector_store %arg11[%swap3A_48], %swap3A_51 {strides = array<i32>} : memref<128xf32, #tpu.memory_space<vmem>>, vector<16xf32>,
    %broadcast_in_dim3A_52 = arith.constant 1.000000e+00 : f32
    %broadcast_in_dim3A_53 = vector.broadcast %broadcast_in_dim3A_52 : f32 to vector<16xf32>
    %swap3A_54 = arith.constant 112 : index
    %swap3A_55 = tpu.vector_load %arg11[%swap3A_54] {strides = array<i32>} : memref<128xf32, #tpu.memory_space<vmem>>, vector<16xf32>,
    %swap3A_56 = vector.shape_cast %swap3A_55 : vector<16xf32> to vector<16xf32>
    %swap3A_57 = vector.shape_cast %broadcast_in_dim3A_53 : vector<16xf32> to vector<16xf32>
    tpu.vector_store %arg11[%swap3A_54], %swap3A_57 {strides = array<i32>} : memref<128xf32, #tpu.memory_space<vmem>>, vector<16xf32>,
    %add3A_58 = arith.constant 0 : i32
    %add3A_59 = arith.addi %mul3A_2, %add3A_58 : i32
    "tpu.region"() ({
      %run_scoped3A = tpu.sem_alloc : memref<!tpu.dma_semaphore, #tpu.memory_space<semaphore_mem>>
      %dma_start3A = arith.constant 0 : i32
      %dma_start3A_98 = tpu.memref_slice %arg13[%add3A_59, %dma_start3A] : memref<10112x128xf32, #tpu.memory_space<vmem_shared>> -> memref<256x128xf32, #tpu.memory_space<vmem_shared>>
      %dma_start3A_99 = arith.constant 0 : i32
      %dma_start3A_100 = tpu.memref_slice %arg13[%add3A_59, %dma_start3A_99] : memref<10112x128xf32, #tpu.memory_space<vmem_shared>> -> memref<256x128xf32, #tpu.memory_space<vmem_shared>>
      tpu.enqueue_dma source(%arg10 : memref<256x128xf32, #tpu.memory_space<vmem>>) target(%dma_start3A_100 : memref<256x128xf32, #tpu.memory_space<vmem_shared>>) target_semaphore(%run_scoped3A : memref<!tpu.dma_semaphore, #tpu.memory_space<semaphore_mem>>)
      %dma_wait3A = arith.constant 0 : i32
      %dma_wait3A_101 = tpu.memref_slice %arg13[%add3A_59, %dma_wait3A] : memref<10112x128xf32, #tpu.memory_space<vmem_shared>> -> memref<256x128xf32, #tpu.memory_space<vmem_shared>>
      %dma_wait3A_102 = arith.constant 0 : i32
      %dma_wait3A_103 = tpu.memref_slice %arg13[%add3A_59, %dma_wait3A_102] : memref<10112x128xf32, #tpu.memory_space<vmem_shared>> -> memref<256x128xf32, #tpu.memory_space<vmem_shared>>
      tpu.wait_dma2 semaphore(%run_scoped3A : memref<!tpu.dma_semaphore, #tpu.memory_space<semaphore_mem>>) src(%arg10 : memref<256x128xf32, #tpu.memory_space<vmem>>) dst(%dma_wait3A_103 : memref<256x128xf32, #tpu.memory_space<vmem_shared>>)
      tpu.yield
    }) : () -> ()
    %add3A_60 = arith.constant 256 : i32
    %add3A_61 = arith.addi %mul3A_2, %add3A_60 : i32
    "tpu.region"() ({
      %run_scoped3A = tpu.sem_alloc : memref<!tpu.dma_semaphore, #tpu.memory_space<semaphore_mem>>
      %dma_start3A = arith.constant 0 : i32
      %dma_start3A_98 = tpu.memref_slice %arg13[%add3A_61, %dma_start3A] : memref<10112x128xf32, #tpu.memory_space<vmem_shared>> -> memref<256x128xf32, #tpu.memory_space<vmem_shared>>
      %dma_start3A_99 = arith.constant 0 : i32
      %dma_start3A_100 = tpu.memref_slice %arg13[%add3A_61, %dma_start3A_99] : memref<10112x128xf32, #tpu.memory_space<vmem_shared>> -> memref<256x128xf32, #tpu.memory_space<vmem_shared>>
      tpu.enqueue_dma source(%arg10 : memref<256x128xf32, #tpu.memory_space<vmem>>) target(%dma_start3A_100 : memref<256x128xf32, #tpu.memory_space<vmem_shared>>) target_semaphore(%run_scoped3A : memref<!tpu.dma_semaphore, #tpu.memory_space<semaphore_mem>>)
      %dma_wait3A = arith.constant 0 : i32
      %dma_wait3A_101 = tpu.memref_slice %arg13[%add3A_61, %dma_wait3A] : memref<10112x128xf32, #tpu.memory_space<vmem_shared>> -> memref<256x128xf32, #tpu.memory_space<vmem_shared>>
      %dma_wait3A_102 = arith.constant 0 : i32
      %dma_wait3A_103 = tpu.memref_slice %arg13[%add3A_61, %dma_wait3A_102] : memref<10112x128xf32, #tpu.memory_space<vmem_shared>> -> memref<256x128xf32, #tpu.memory_space<vmem_shared>>
      tpu.wait_dma2 semaphore(%run_scoped3A : memref<!tpu.dma_semaphore, #tpu.memory_space<semaphore_mem>>) src(%arg10 : memref<256x128xf32, #tpu.memory_space<vmem>>) dst(%dma_wait3A_103 : memref<256x128xf32, #tpu.memory_space<vmem_shared>>)
      tpu.yield
    }) : () -> ()
    %add3A_62 = arith.constant 512 : i32
    %add3A_63 = arith.addi %mul3A_2, %add3A_62 : i32
    "tpu.region"() ({
      %run_scoped3A = tpu.sem_alloc : memref<!tpu.dma_semaphore, #tpu.memory_space<semaphore_mem>>
      %dma_start3A = arith.constant 0 : i32
      %dma_start3A_98 = arith.constant 0 : i32
      %dma_start3A_99 = tpu.memref_slice %arg10[%dma_start3A, %dma_start3A_98] : memref<256x128xf32, #tpu.memory_space<vmem>> -> memref<120x128xf32, #tpu.memory_space<vmem>>
      %dma_start3A_100 = arith.constant 0 : i32
      %dma_start3A_101 = tpu.memref_slice %arg13[%add3A_63, %dma_start3A_100] : memref<10112x128xf32, #tpu.memory_space<vmem_shared>> -> memref<120x128xf32, #tpu.memory_space<vmem_shared>>
      %dma_start3A_102 = arith.constant 0 : i32
      %dma_start3A_103 = tpu.memref_slice %arg13[%add3A_63, %dma_start3A_102] : memref<10112x128xf32, #tpu.memory_space<vmem_shared>> -> memref<120x128xf32, #tpu.memory_space<vmem_shared>>
      %dma_start3A_104 = arith.constant 0 : i32
      %dma_start3A_105 = arith.constant 0 : i32
      %dma_start3A_106 = tpu.memref_slice %arg10[%dma_start3A_104, %dma_start3A_105] : memref<256x128xf32, #tpu.memory_space<vmem>> -> memref<120x128xf32, #tpu.memory_space<vmem>>
      tpu.enqueue_dma source(%dma_start3A_106 : memref<120x128xf32, #tpu.memory_space<vmem>>) target(%dma_start3A_103 : memref<120x128xf32, #tpu.memory_space<vmem_shared>>) target_semaphore(%run_scoped3A : memref<!tpu.dma_semaphore, #tpu.memory_space<semaphore_mem>>)
      %dma_wait3A = arith.constant 0 : i32
      %dma_wait3A_107 = arith.constant 0 : i32
      %dma_wait3A_108 = tpu.memref_slice %arg10[%dma_wait3A, %dma_wait3A_107] : memref<256x128xf32, #tpu.memory_space<vmem>> -> memref<120x128xf32, #tpu.memory_space<vmem>>
      %dma_wait3A_109 = arith.constant 0 : i32
      %dma_wait3A_110 = tpu.memref_slice %arg13[%add3A_63, %dma_wait3A_109] : memref<10112x128xf32, #tpu.memory_space<vmem_shared>> -> memref<120x128xf32, #tpu.memory_space<vmem_shared>>
      %dma_wait3A_111 = arith.constant 0 : i32
      %dma_wait3A_112 = tpu.memref_slice %arg13[%add3A_63, %dma_wait3A_111] : memref<10112x128xf32, #tpu.memory_space<vmem_shared>> -> memref<120x128xf32, #tpu.memory_space<vmem_shared>>
      %dma_wait3A_113 = arith.constant 0 : i32
      %dma_wait3A_114 = arith.constant 0 : i32
      %dma_wait3A_115 = tpu.memref_slice %arg10[%dma_wait3A_113, %dma_wait3A_114] : memref<256x128xf32, #tpu.memory_space<vmem>> -> memref<120x128xf32, #tpu.memory_space<vmem>>
      tpu.wait_dma2 semaphore(%run_scoped3A : memref<!tpu.dma_semaphore, #tpu.memory_space<semaphore_mem>>) src(%dma_wait3A_115 : memref<120x128xf32, #tpu.memory_space<vmem>>) dst(%dma_wait3A_112 : memref<120x128xf32, #tpu.memory_space<vmem_shared>>)
      tpu.yield
    }) : () -> ()
    "tpu.region"() ({
      %run_scoped3A = tpu.sem_alloc : memref<!tpu.dma_semaphore, #tpu.memory_space<semaphore_mem>>
      %dma_start3A = tpu.memref_slice %arg14[%mul3A_2] : memref<10112xf32, #tpu.memory_space<vmem_shared>> -> memref<632xf32, #tpu.memory_space<vmem_shared>>
      %dma_start3A_98 = tpu.memref_slice %arg14[%mul3A_2] : memref<10112xf32, #tpu.memory_space<vmem_shared>> -> memref<632xf32, #tpu.memory_space<vmem_shared>>
      tpu.enqueue_dma source(%arg12 : memref<632xf32, #tpu.memory_space<vmem>>) target(%dma_start3A_98 : memref<632xf32, #tpu.memory_space<vmem_shared>>) target_semaphore(%run_scoped3A : memref<!tpu.dma_semaphore, #tpu.memory_space<semaphore_mem>>)
      %dma_wait3A = tpu.memref_slice %arg14[%mul3A_2] : memref<10112xf32, #tpu.memory_space<vmem_shared>> -> memref<632xf32, #tpu.memory_space<vmem_shared>>
      %dma_wait3A_99 = tpu.memref_slice %arg14[%mul3A_2] : memref<10112xf32, #tpu.memory_space<vmem_shared>> -> memref<632xf32, #tpu.memory_space<vmem_shared>>
      tpu.wait_dma2 semaphore(%run_scoped3A : memref<!tpu.dma_semaphore, #tpu.memory_space<semaphore_mem>>) src(%arg12 : memref<632xf32, #tpu.memory_space<vmem>>) dst(%dma_wait3A_99 : memref<632xf32, #tpu.memory_space<vmem_shared>>)
      tpu.yield
    }) : () -> ()
    %barrier3A = arith.constant 0 : index
    tpu.barrier barrier_id(%barrier3A)
    %mul3A_64 = arith.constant 8192 : i32
    %mul3A_65 = arith.muli %add3A, %mul3A_64 : i32
    %add3A_66 = arith.constant 0 : i32
    %add3A_67 = arith.addi %mul3A_65, %add3A_66 : i32
    "tpu.region"() ({
      %run_scoped3A = tpu.sem_alloc : memref<!tpu.dma_semaphore, #tpu.memory_space<semaphore_mem>>
      %dma_start3A = tpu.memref_slice %arg3[%add3A_67] : memref<262144xi32, #tpu.memory_space<hbm>> -> memref<4096xi32, #tpu.memory_space<hbm>>
      %dma_start3A_98 = tpu.memref_slice %arg3[%add3A_67] : memref<262144xi32, #tpu.memory_space<hbm>> -> memref<4096xi32, #tpu.memory_space<hbm>>
      tpu.enqueue_dma source(%dma_start3A_98 : memref<4096xi32, #tpu.memory_space<hbm>>) target(%arg8 : memref<4096xi32, #tpu.memory_space<vmem>>) target_semaphore(%run_scoped3A : memref<!tpu.dma_semaphore, #tpu.memory_space<semaphore_mem>>)
      %dma_wait3A = tpu.memref_slice %arg3[%add3A_67] : memref<262144xi32, #tpu.memory_space<hbm>> -> memref<4096xi32, #tpu.memory_space<hbm>>
      %dma_wait3A_99 = tpu.memref_slice %arg3[%add3A_67] : memref<262144xi32, #tpu.memory_space<hbm>> -> memref<4096xi32, #tpu.memory_space<hbm>>
      tpu.wait_dma2 semaphore(%run_scoped3A : memref<!tpu.dma_semaphore, #tpu.memory_space<semaphore_mem>>) src(%dma_wait3A_99 : memref<4096xi32, #tpu.memory_space<hbm>>) dst(%arg8 : memref<4096xi32, #tpu.memory_space<vmem>>)
      tpu.yield
    }) : () -> ()
    %mul3A_68 = arith.constant 64 : i32
    %mul3A_69 = arith.muli %add3A, %mul3A_68 : i32
    %add3A_70 = arith.constant 0 : i32
    %add3A_71 = arith.addi %mul3A_69, %add3A_70 : i32
    "tpu.region"() ({
      %run_scoped3A = tpu.sem_alloc : memref<!tpu.dma_semaphore, #tpu.memory_space<semaphore_mem>>
      %dma_start3A = arith.constant 0 : i32
      %dma_start3A_98 = tpu.memref_slice %arg4[%add3A_71, %dma_start3A] : memref<2048x128xi32, #tpu.memory_space<hbm>> -> memref<32x128xi32, #tpu.memory_space<hbm>>
      %dma_start3A_99 = arith.constant 0 : i32
      %dma_start3A_100 = tpu.memref_slice %arg4[%add3A_71, %dma_start3A_99] : memref<2048x128xi32, #tpu.memory_space<hbm>> -> memref<32x128xi32, #tpu.memory_space<hbm>>
      tpu.enqueue_dma source(%dma_start3A_100 : memref<32x128xi32, #tpu.memory_space<hbm>>) target(%arg9 : memref<32x128xi32, #tpu.memory_space<vmem>>) target_semaphore(%run_scoped3A : memref<!tpu.dma_semaphore, #tpu.memory_space<semaphore_mem>>)
      %dma_wait3A = arith.constant 0 : i32
      %dma_wait3A_101 = tpu.memref_slice %arg4[%add3A_71, %dma_wait3A] : memref<2048x128xi32, #tpu.memory_space<hbm>> -> memref<32x128xi32, #tpu.memory_space<hbm>>
      %dma_wait3A_102 = arith.constant 0 : i32
      %dma_wait3A_103 = tpu.memref_slice %arg4[%add3A_71, %dma_wait3A_102] : memref<2048x128xi32, #tpu.memory_space<hbm>> -> memref<32x128xi32, #tpu.memory_space<hbm>>
      tpu.wait_dma2 semaphore(%run_scoped3A : memref<!tpu.dma_semaphore, #tpu.memory_space<semaphore_mem>>) src(%dma_wait3A_103 : memref<32x128xi32, #tpu.memory_space<hbm>>) dst(%arg9 : memref<32x128xi32, #tpu.memory_space<vmem>>)
      tpu.yield
    }) : () -> ()
    %scan3A_72 = arith.constant 0 : i32
    %scan3A_73 = arith.constant 16 : i32
    %scan3A_74 = arith.addi %scan3A_72, %scan3A_73 : i32
    %scan3A_75 = arith.constant 1 : i32
    scf.for %scan3A_98 = %scan3A_72 to %scan3A_74 step %scan3A_75  : i32 {
      %mul3A_99 = arith.constant 1 : i32
      %mul3A_100 = arith.muli %scan3A_98, %mul3A_99 : i32
      %add3A_101 = arith.constant 0 : i32
      %add3A_102 = arith.addi %add3A_101, %mul3A_100 : i32
      %mul3A_103 = arith.constant 2 : i32
      %mul3A_104 = arith.muli %add3A_102, %mul3A_103 : i32
      %mul3A_105 = arith.constant 128 : i32
      %mul3A_106 = arith.muli %mul3A_104, %mul3A_105 : i32
      %dma_start3A = tpu.memref_slice %arg8[%mul3A_106] : memref<4096xi32, #tpu.memory_space<vmem>> -> memref<256xi32, #tpu.memory_space<vmem>>
      %dma_start3A_107 = arith.constant 0 : i32
      %dma_start3A_108 = arith.constant 0 : i32
      %dma_start3A_109 = tpu.memref_slice %arg2[%dma_start3A_107, %dma_start3A_108] : memref<50000x128xf32, #tpu.memory_space<hbm>> -> memref<50000x128xf32, #tpu.memory_space<hbm>>
      tpu.enqueue_indirect_dma source(%dma_start3A_109 : memref<50000x128xf32, #tpu.memory_space<hbm>>) target(%arg10 : memref<256x128xf32, #tpu.memory_space<vmem>>) offsets(%dma_start3A : memref<256xi32, #tpu.memory_space<vmem>>) semaphore(%arg15 : memref<!tpu.dma_semaphore, #tpu.memory_space<semaphore_mem>>)
      %dma_wait3A = tpu.memref_slice %arg8[%mul3A_106] : memref<4096xi32, #tpu.memory_space<vmem>> -> memref<256xi32, #tpu.memory_space<vmem>>
      %dma_wait3A_110 = arith.constant 0 : i32
      %dma_wait3A_111 = arith.constant 0 : i32
      %dma_wait3A_112 = tpu.memref_slice %arg2[%dma_wait3A_110, %dma_wait3A_111] : memref<50000x128xf32, #tpu.memory_space<hbm>> -> memref<50000x128xf32, #tpu.memory_space<hbm>>
      tpu.wait_indirect_dma semaphore(%arg15 : memref<!tpu.dma_semaphore, #tpu.memory_space<semaphore_mem>>) src(%dma_wait3A_112 : memref<50000x128xf32, #tpu.memory_space<hbm>>) dst(%arg10 : memref<256x128xf32, #tpu.memory_space<vmem>>)
      %mul3A_113 = arith.constant 2 : i32
      %mul3A_114 = arith.muli %mul3A_113, %add3A_102 : i32
      %add3A_115 = arith.constant 0 : i32
      %add3A_116 = arith.addi %mul3A_114, %add3A_115 : i32
      "tpu.region"() ({
        %run_scoped3A = tpu.sem_alloc : memref<!tpu.dma_semaphore, #tpu.memory_space<semaphore_mem>>
        %dma_start3A_129 = arith.constant 0 : i32
        %dma_start3A_130 = arith.constant 0 : i32
        %dma_start3A_131 = tpu.memref_slice %arg10[%dma_start3A_129, %dma_start3A_130] : memref<256x128xf32, #tpu.memory_space<vmem>> -> memref<128x128xf32, #tpu.memory_space<vmem>>
        %dma_start3A_132 = arith.constant 0 : i32
        %dma_start3A_133 = tpu.memref_slice %arg9[%add3A_116, %dma_start3A_132] : memref<32x128xi32, #tpu.memory_space<vmem>> -> memref<1x128xi32, #tpu.memory_space<vmem>>
        %dma_start3A_134 = tpu.memref_squeeze %dma_start3A_133 : memref<1x128xi32, #tpu.memory_space<vmem>> -> memref<128xi32, #tpu.memory_space<vmem>>
        %dma_start3A_135 = arith.constant 0 : i32
        %dma_start3A_136 = arith.constant 0 : i32
        %dma_start3A_137 = tpu.memref_slice %arg13[%dma_start3A_135, %dma_start3A_136] : memref<10112x128xf32, #tpu.memory_space<vmem_shared>> -> memref<10112x128xf32, #tpu.memory_space<vmem_shared>>
        tpu.enqueue_indirect_dma source(%dma_start3A_131 : memref<128x128xf32, #tpu.memory_space<vmem>>) target(%dma_start3A_137 : memref<10112x128xf32, #tpu.memory_space<vmem_shared>>) offsets(%dma_start3A_134 : memref<128xi32, #tpu.memory_space<vmem>>) semaphore(%run_scoped3A : memref<!tpu.dma_semaphore, #tpu.memory_space<semaphore_mem>>) {add = true}
        %dma_wait3A_138 = arith.constant 0 : i32
        %dma_wait3A_139 = arith.constant 0 : i32
        %dma_wait3A_140 = tpu.memref_slice %arg10[%dma_wait3A_138, %dma_wait3A_139] : memref<256x128xf32, #tpu.memory_space<vmem>> -> memref<128x128xf32, #tpu.memory_space<vmem>>
        %dma_wait3A_141 = arith.constant 0 : i32
        %dma_wait3A_142 = tpu.memref_slice %arg9[%add3A_116, %dma_wait3A_141] : memref<32x128xi32, #tpu.memory_space<vmem>> -> memref<1x128xi32, #tpu.memory_space<vmem>>
        %dma_wait3A_143 = tpu.memref_squeeze %dma_wait3A_142 : memref<1x128xi32, #tpu.memory_space<vmem>> -> memref<128xi32, #tpu.memory_space<vmem>>
        %dma_wait3A_144 = arith.constant 0 : i32
        %dma_wait3A_145 = arith.constant 0 : i32
        %dma_wait3A_146 = tpu.memref_slice %arg13[%dma_wait3A_144, %dma_wait3A_145] : memref<10112x128xf32, #tpu.memory_space<vmem_shared>> -> memref<10112x128xf32, #tpu.memory_space<vmem_shared>>
        tpu.wait_indirect_dma semaphore(%run_scoped3A : memref<!tpu.dma_semaphore, #tpu.memory_space<semaphore_mem>>) src(%dma_wait3A_140 : memref<128x128xf32, #tpu.memory_space<vmem>>) dst(%dma_wait3A_146 : memref<10112x128xf32, #tpu.memory_space<vmem_shared>>)
        tpu.yield
      }) : () -> ()
      %mul3A_117 = arith.constant 2 : i32
      %mul3A_118 = arith.muli %mul3A_117, %add3A_102 : i32
      %add3A_119 = arith.constant 0 : i32
      %add3A_120 = arith.addi %mul3A_118, %add3A_119 : i32
      "tpu.region"() ({
        %run_scoped3A = tpu.sem_alloc : memref<!tpu.dma_semaphore, #tpu.memory_space<semaphore_mem>>
        %dma_start3A_129 = arith.constant 0 : i32
        %dma_start3A_130 = tpu.memref_slice %arg9[%add3A_120, %dma_start3A_129] : memref<32x128xi32, #tpu.memory_space<vmem>> -> memref<1x128xi32, #tpu.memory_space<vmem>>
        %dma_start3A_131 = tpu.memref_squeeze %dma_start3A_130 : memref<1x128xi32, #tpu.memory_space<vmem>> -> memref<128xi32, #tpu.memory_space<vmem>>
        %dma_start3A_132 = arith.constant 0 : i32
        %dma_start3A_133 = tpu.memref_slice %arg14[%dma_start3A_132] : memref<10112xf32, #tpu.memory_space<vmem_shared>> -> memref<10112xf32, #tpu.memory_space<vmem_shared>>
        tpu.enqueue_indirect_dma source(%arg11 : memref<128xf32, #tpu.memory_space<vmem>>) target(%dma_start3A_133 : memref<10112xf32, #tpu.memory_space<vmem_shared>>) offsets(%dma_start3A_131 : memref<128xi32, #tpu.memory_space<vmem>>) semaphore(%run_scoped3A : memref<!tpu.dma_semaphore, #tpu.memory_space<semaphore_mem>>) {add = true}
        %dma_wait3A_134 = arith.constant 0 : i32
        %dma_wait3A_135 = tpu.memref_slice %arg9[%add3A_120, %dma_wait3A_134] : memref<32x128xi32, #tpu.memory_space<vmem>> -> memref<1x128xi32, #tpu.memory_space<vmem>>
        %dma_wait3A_136 = tpu.memref_squeeze %dma_wait3A_135 : memref<1x128xi32, #tpu.memory_space<vmem>> -> memref<128xi32, #tpu.memory_space<vmem>>
        %dma_wait3A_137 = arith.constant 0 : i32
        %dma_wait3A_138 = tpu.memref_slice %arg14[%dma_wait3A_137] : memref<10112xf32, #tpu.memory_space<vmem_shared>> -> memref<10112xf32, #tpu.memory_space<vmem_shared>>
        tpu.wait_indirect_dma semaphore(%run_scoped3A : memref<!tpu.dma_semaphore, #tpu.memory_space<semaphore_mem>>) src(%arg11 : memref<128xf32, #tpu.memory_space<vmem>>) dst(%dma_wait3A_138 : memref<10112xf32, #tpu.memory_space<vmem_shared>>)
        tpu.yield
      }) : () -> ()
      %mul3A_121 = arith.constant 2 : i32
      %mul3A_122 = arith.muli %mul3A_121, %add3A_102 : i32
      %add3A_123 = arith.constant 1 : i32
      %add3A_124 = arith.addi %mul3A_122, %add3A_123 : i32
      "tpu.region"() ({
        %run_scoped3A = tpu.sem_alloc : memref<!tpu.dma_semaphore, #tpu.memory_space<semaphore_mem>>
        %dma_start3A_129 = arith.constant 128 : i32
        %dma_start3A_130 = arith.constant 0 : i32
        %dma_start3A_131 = tpu.memref_slice %arg10[%dma_start3A_129, %dma_start3A_130] : memref<256x128xf32, #tpu.memory_space<vmem>> -> memref<128x128xf32, #tpu.memory_space<vmem>>
        %dma_start3A_132 = arith.constant 0 : i32
        %dma_start3A_133 = tpu.memref_slice %arg9[%add3A_124, %dma_start3A_132] : memref<32x128xi32, #tpu.memory_space<vmem>> -> memref<1x128xi32, #tpu.memory_space<vmem>>
        %dma_start3A_134 = tpu.memref_squeeze %dma_start3A_133 : memref<1x128xi32, #tpu.memory_space<vmem>> -> memref<128xi32, #tpu.memory_space<vmem>>
        %dma_start3A_135 = arith.constant 0 : i32
        %dma_start3A_136 = arith.constant 0 : i32
        %dma_start3A_137 = tpu.memref_slice %arg13[%dma_start3A_135, %dma_start3A_136] : memref<10112x128xf32, #tpu.memory_space<vmem_shared>> -> memref<10112x128xf32, #tpu.memory_space<vmem_shared>>
        tpu.enqueue_indirect_dma source(%dma_start3A_131 : memref<128x128xf32, #tpu.memory_space<vmem>>) target(%dma_start3A_137 : memref<10112x128xf32, #tpu.memory_space<vmem_shared>>) offsets(%dma_start3A_134 : memref<128xi32, #tpu.memory_space<vmem>>) semaphore(%run_scoped3A : memref<!tpu.dma_semaphore, #tpu.memory_space<semaphore_mem>>) {add = true}
        %dma_wait3A_138 = arith.constant 128 : i32
        %dma_wait3A_139 = arith.constant 0 : i32
        %dma_wait3A_140 = tpu.memref_slice %arg10[%dma_wait3A_138, %dma_wait3A_139] : memref<256x128xf32, #tpu.memory_space<vmem>> -> memref<128x128xf32, #tpu.memory_space<vmem>>
        %dma_wait3A_141 = arith.constant 0 : i32
        %dma_wait3A_142 = tpu.memref_slice %arg9[%add3A_124, %dma_wait3A_141] : memref<32x128xi32, #tpu.memory_space<vmem>> -> memref<1x128xi32, #tpu.memory_space<vmem>>
        %dma_wait3A_143 = tpu.memref_squeeze %dma_wait3A_142 : memref<1x128xi32, #tpu.memory_space<vmem>> -> memref<128xi32, #tpu.memory_space<vmem>>
        %dma_wait3A_144 = arith.constant 0 : i32
        %dma_wait3A_145 = arith.constant 0 : i32
        %dma_wait3A_146 = tpu.memref_slice %arg13[%dma_wait3A_144, %dma_wait3A_145] : memref<10112x128xf32, #tpu.memory_space<vmem_shared>> -> memref<10112x128xf32, #tpu.memory_space<vmem_shared>>
        tpu.wait_indirect_dma semaphore(%run_scoped3A : memref<!tpu.dma_semaphore, #tpu.memory_space<semaphore_mem>>) src(%dma_wait3A_140 : memref<128x128xf32, #tpu.memory_space<vmem>>) dst(%dma_wait3A_146 : memref<10112x128xf32, #tpu.memory_space<vmem_shared>>)
        tpu.yield
      }) : () -> ()
      %mul3A_125 = arith.constant 2 : i32
      %mul3A_126 = arith.muli %mul3A_125, %add3A_102 : i32
      %add3A_127 = arith.constant 1 : i32
      %add3A_128 = arith.addi %mul3A_126, %add3A_127 : i32
      "tpu.region"() ({
        %run_scoped3A = tpu.sem_alloc : memref<!tpu.dma_semaphore, #tpu.memory_space<semaphore_mem>>
        %dma_start3A_129 = arith.constant 0 : i32
        %dma_start3A_130 = tpu.memref_slice %arg9[%add3A_128, %dma_start3A_129] : memref<32x128xi32, #tpu.memory_space<vmem>> -> memref<1x128xi32, #tpu.memory_space<vmem>>
        %dma_start3A_131 = tpu.memref_squeeze %dma_start3A_130 : memref<1x128xi32, #tpu.memory_space<vmem>> -> memref<128xi32, #tpu.memory_space<vmem>>
        %dma_start3A_132 = arith.constant 0 : i32
        %dma_start3A_133 = tpu.memref_slice %arg14[%dma_start3A_132] : memref<10112xf32, #tpu.memory_space<vmem_shared>> -> memref<10112xf32, #tpu.memory_space<vmem_shared>>
        tpu.enqueue_indirect_dma source(%arg11 : memref<128xf32, #tpu.memory_space<vmem>>) target(%dma_start3A_133 : memref<10112xf32, #tpu.memory_space<vmem_shared>>) offsets(%dma_start3A_131 : memref<128xi32, #tpu.memory_space<vmem>>) semaphore(%run_scoped3A : memref<!tpu.dma_semaphore, #tpu.memory_space<semaphore_mem>>) {add = true}
        %dma_wait3A_134 = arith.constant 0 : i32
        %dma_wait3A_135 = tpu.memref_slice %arg9[%add3A_128, %dma_wait3A_134] : memref<32x128xi32, #tpu.memory_space<vmem>> -> memref<1x128xi32, #tpu.memory_space<vmem>>
        %dma_wait3A_136 = tpu.memref_squeeze %dma_wait3A_135 : memref<1x128xi32, #tpu.memory_space<vmem>> -> memref<128xi32, #tpu.memory_space<vmem>>
        %dma_wait3A_137 = arith.constant 0 : i32
        %dma_wait3A_138 = tpu.memref_slice %arg14[%dma_wait3A_137] : memref<10112xf32, #tpu.memory_space<vmem_shared>> -> memref<10112xf32, #tpu.memory_space<vmem_shared>>
        tpu.wait_indirect_dma semaphore(%run_scoped3A : memref<!tpu.dma_semaphore, #tpu.memory_space<semaphore_mem>>) src(%arg11 : memref<128xf32, #tpu.memory_space<vmem>>) dst(%dma_wait3A_138 : memref<10112xf32, #tpu.memory_space<vmem_shared>>)
        tpu.yield
      }) : () -> ()
    }
    %scan3A_76 = arith.constant 16 : i32
    %mul3A_77 = arith.constant 8192 : i32
    %mul3A_78 = arith.muli %add3A, %mul3A_77 : i32
    %add3A_79 = arith.constant 4096 : i32
    %add3A_80 = arith.addi %mul3A_78, %add3A_79 : i32
    "tpu.region"() ({
      %run_scoped3A = tpu.sem_alloc : memref<!tpu.dma_semaphore, #tpu.memory_space<semaphore_mem>>
      %dma_start3A = tpu.memref_slice %arg3[%add3A_80] : memref<262144xi32, #tpu.memory_space<hbm>> -> memref<4096xi32, #tpu.memory_space<hbm>>
      %dma_start3A_98 = tpu.memref_slice %arg3[%add3A_80] : memref<262144xi32, #tpu.memory_space<hbm>> -> memref<4096xi32, #tpu.memory_space<hbm>>
      tpu.enqueue_dma source(%dma_start3A_98 : memref<4096xi32, #tpu.memory_space<hbm>>) target(%arg8 : memref<4096xi32, #tpu.memory_space<vmem>>) target_semaphore(%run_scoped3A : memref<!tpu.dma_semaphore, #tpu.memory_space<semaphore_mem>>)
      %dma_wait3A = tpu.memref_slice %arg3[%add3A_80] : memref<262144xi32, #tpu.memory_space<hbm>> -> memref<4096xi32, #tpu.memory_space<hbm>>
      %dma_wait3A_99 = tpu.memref_slice %arg3[%add3A_80] : memref<262144xi32, #tpu.memory_space<hbm>> -> memref<4096xi32, #tpu.memory_space<hbm>>
      tpu.wait_dma2 semaphore(%run_scoped3A : memref<!tpu.dma_semaphore, #tpu.memory_space<semaphore_mem>>) src(%dma_wait3A_99 : memref<4096xi32, #tpu.memory_space<hbm>>) dst(%arg8 : memref<4096xi32, #tpu.memory_space<vmem>>)
      tpu.yield
    }) : () -> ()
    %mul3A_81 = arith.constant 64 : i32
    %mul3A_82 = arith.muli %add3A, %mul3A_81 : i32
    %add3A_83 = arith.constant 32 : i32
    %add3A_84 = arith.addi %mul3A_82, %add3A_83 : i32
    "tpu.region"() ({
      %run_scoped3A = tpu.sem_alloc : memref<!tpu.dma_semaphore, #tpu.memory_space<semaphore_mem>>
      %dma_start3A = arith.constant 0 : i32
      %dma_start3A_98 = tpu.memref_slice %arg4[%add3A_84, %dma_start3A] : memref<2048x128xi32, #tpu.memory_space<hbm>> -> memref<32x128xi32, #tpu.memory_space<hbm>>
      %dma_start3A_99 = arith.constant 0 : i32
      %dma_start3A_100 = tpu.memref_slice %arg4[%add3A_84, %dma_start3A_99] : memref<2048x128xi32, #tpu.memory_space<hbm>> -> memref<32x128xi32, #tpu.memory_space<hbm>>
      tpu.enqueue_dma source(%dma_start3A_100 : memref<32x128xi32, #tpu.memory_space<hbm>>) target(%arg9 : memref<32x128xi32, #tpu.memory_space<vmem>>) target_semaphore(%run_scoped3A : memref<!tpu.dma_semaphore, #tpu.memory_space<semaphore_mem>>)
      %dma_wait3A = arith.constant 0 : i32
      %dma_wait3A_101 = tpu.memref_slice %arg4[%add3A_84, %dma_wait3A] : memref<2048x128xi32, #tpu.memory_space<hbm>> -> memref<32x128xi32, #tpu.memory_space<hbm>>
      %dma_wait3A_102 = arith.constant 0 : i32
      %dma_wait3A_103 = tpu.memref_slice %arg4[%add3A_84, %dma_wait3A_102] : memref<2048x128xi32, #tpu.memory_space<hbm>> -> memref<32x128xi32, #tpu.memory_space<hbm>>
      tpu.wait_dma2 semaphore(%run_scoped3A : memref<!tpu.dma_semaphore, #tpu.memory_space<semaphore_mem>>) src(%dma_wait3A_103 : memref<32x128xi32, #tpu.memory_space<hbm>>) dst(%arg9 : memref<32x128xi32, #tpu.memory_space<vmem>>)
      tpu.yield
    }) : () -> ()
    %scan3A_85 = arith.constant 0 : i32
    %scan3A_86 = arith.constant 16 : i32
    %scan3A_87 = arith.addi %scan3A_85, %scan3A_86 : i32
    %scan3A_88 = arith.constant 1 : i32
    scf.for %scan3A_98 = %scan3A_85 to %scan3A_87 step %scan3A_88  : i32 {
      %mul3A_99 = arith.constant 1 : i32
      %mul3A_100 = arith.muli %scan3A_98, %mul3A_99 : i32
      %add3A_101 = arith.constant 0 : i32
      %add3A_102 = arith.addi %add3A_101, %mul3A_100 : i32
      %mul3A_103 = arith.constant 2 : i32
      %mul3A_104 = arith.muli %add3A_102, %mul3A_103 : i32
      %mul3A_105 = arith.constant 128 : i32
      %mul3A_106 = arith.muli %mul3A_104, %mul3A_105 : i32
      %dma_start3A = tpu.memref_slice %arg8[%mul3A_106] : memref<4096xi32, #tpu.memory_space<vmem>> -> memref<256xi32, #tpu.memory_space<vmem>>
      %dma_start3A_107 = arith.constant 0 : i32
      %dma_start3A_108 = arith.constant 0 : i32
      %dma_start3A_109 = tpu.memref_slice %arg2[%dma_start3A_107, %dma_start3A_108] : memref<50000x128xf32, #tpu.memory_space<hbm>> -> memref<50000x128xf32, #tpu.memory_space<hbm>>
      tpu.enqueue_indirect_dma source(%dma_start3A_109 : memref<50000x128xf32, #tpu.memory_space<hbm>>) target(%arg10 : memref<256x128xf32, #tpu.memory_space<vmem>>) offsets(%dma_start3A : memref<256xi32, #tpu.memory_space<vmem>>) semaphore(%arg15 : memref<!tpu.dma_semaphore, #tpu.memory_space<semaphore_mem>>)
      %dma_wait3A = tpu.memref_slice %arg8[%mul3A_106] : memref<4096xi32, #tpu.memory_space<vmem>> -> memref<256xi32, #tpu.memory_space<vmem>>
      %dma_wait3A_110 = arith.constant 0 : i32
      %dma_wait3A_111 = arith.constant 0 : i32
      %dma_wait3A_112 = tpu.memref_slice %arg2[%dma_wait3A_110, %dma_wait3A_111] : memref<50000x128xf32, #tpu.memory_space<hbm>> -> memref<50000x128xf32, #tpu.memory_space<hbm>>
      tpu.wait_indirect_dma semaphore(%arg15 : memref<!tpu.dma_semaphore, #tpu.memory_space<semaphore_mem>>) src(%dma_wait3A_112 : memref<50000x128xf32, #tpu.memory_space<hbm>>) dst(%arg10 : memref<256x128xf32, #tpu.memory_space<vmem>>)
      %mul3A_113 = arith.constant 2 : i32
      %mul3A_114 = arith.muli %mul3A_113, %add3A_102 : i32
      %add3A_115 = arith.constant 0 : i32
      %add3A_116 = arith.addi %mul3A_114, %add3A_115 : i32
      "tpu.region"() ({
        %run_scoped3A = tpu.sem_alloc : memref<!tpu.dma_semaphore, #tpu.memory_space<semaphore_mem>>
        %dma_start3A_129 = arith.constant 0 : i32
        %dma_start3A_130 = arith.constant 0 : i32
        %dma_start3A_131 = tpu.memref_slice %arg10[%dma_start3A_129, %dma_start3A_130] : memref<256x128xf32, #tpu.memory_space<vmem>> -> memref<128x128xf32, #tpu.memory_space<vmem>>
        %dma_start3A_132 = arith.constant 0 : i32
        %dma_start3A_133 = tpu.memref_slice %arg9[%add3A_116, %dma_start3A_132] : memref<32x128xi32, #tpu.memory_space<vmem>> -> memref<1x128xi32, #tpu.memory_space<vmem>>
        %dma_start3A_134 = tpu.memref_squeeze %dma_start3A_133 : memref<1x128xi32, #tpu.memory_space<vmem>> -> memref<128xi32, #tpu.memory_space<vmem>>
        %dma_start3A_135 = arith.constant 0 : i32
        %dma_start3A_136 = arith.constant 0 : i32
        %dma_start3A_137 = tpu.memref_slice %arg13[%dma_start3A_135, %dma_start3A_136] : memref<10112x128xf32, #tpu.memory_space<vmem_shared>> -> memref<10112x128xf32, #tpu.memory_space<vmem_shared>>
        tpu.enqueue_indirect_dma source(%dma_start3A_131 : memref<128x128xf32, #tpu.memory_space<vmem>>) target(%dma_start3A_137 : memref<10112x128xf32, #tpu.memory_space<vmem_shared>>) offsets(%dma_start3A_134 : memref<128xi32, #tpu.memory_space<vmem>>) semaphore(%run_scoped3A : memref<!tpu.dma_semaphore, #tpu.memory_space<semaphore_mem>>) {add = true}
        %dma_wait3A_138 = arith.constant 0 : i32
        %dma_wait3A_139 = arith.constant 0 : i32
        %dma_wait3A_140 = tpu.memref_slice %arg10[%dma_wait3A_138, %dma_wait3A_139] : memref<256x128xf32, #tpu.memory_space<vmem>> -> memref<128x128xf32, #tpu.memory_space<vmem>>
        %dma_wait3A_141 = arith.constant 0 : i32
        %dma_wait3A_142 = tpu.memref_slice %arg9[%add3A_116, %dma_wait3A_141] : memref<32x128xi32, #tpu.memory_space<vmem>> -> memref<1x128xi32, #tpu.memory_space<vmem>>
        %dma_wait3A_143 = tpu.memref_squeeze %dma_wait3A_142 : memref<1x128xi32, #tpu.memory_space<vmem>> -> memref<128xi32, #tpu.memory_space<vmem>>
        %dma_wait3A_144 = arith.constant 0 : i32
        %dma_wait3A_145 = arith.constant 0 : i32
        %dma_wait3A_146 = tpu.memref_slice %arg13[%dma_wait3A_144, %dma_wait3A_145] : memref<10112x128xf32, #tpu.memory_space<vmem_shared>> -> memref<10112x128xf32, #tpu.memory_space<vmem_shared>>
        tpu.wait_indirect_dma semaphore(%run_scoped3A : memref<!tpu.dma_semaphore, #tpu.memory_space<semaphore_mem>>) src(%dma_wait3A_140 : memref<128x128xf32, #tpu.memory_space<vmem>>) dst(%dma_wait3A_146 : memref<10112x128xf32, #tpu.memory_space<vmem_shared>>)
        tpu.yield
      }) : () -> ()
      %mul3A_117 = arith.constant 2 : i32
      %mul3A_118 = arith.muli %mul3A_117, %add3A_102 : i32
      %add3A_119 = arith.constant 0 : i32
      %add3A_120 = arith.addi %mul3A_118, %add3A_119 : i32
      "tpu.region"() ({
        %run_scoped3A = tpu.sem_alloc : memref<!tpu.dma_semaphore, #tpu.memory_space<semaphore_mem>>
        %dma_start3A_129 = arith.constant 0 : i32
        %dma_start3A_130 = tpu.memref_slice %arg9[%add3A_120, %dma_start3A_129] : memref<32x128xi32, #tpu.memory_space<vmem>> -> memref<1x128xi32, #tpu.memory_space<vmem>>
        %dma_start3A_131 = tpu.memref_squeeze %dma_start3A_130 : memref<1x128xi32, #tpu.memory_space<vmem>> -> memref<128xi32, #tpu.memory_space<vmem>>
        %dma_start3A_132 = arith.constant 0 : i32
        %dma_start3A_133 = tpu.memref_slice %arg14[%dma_start3A_132] : memref<10112xf32, #tpu.memory_space<vmem_shared>> -> memref<10112xf32, #tpu.memory_space<vmem_shared>>
        tpu.enqueue_indirect_dma source(%arg11 : memref<128xf32, #tpu.memory_space<vmem>>) target(%dma_start3A_133 : memref<10112xf32, #tpu.memory_space<vmem_shared>>) offsets(%dma_start3A_131 : memref<128xi32, #tpu.memory_space<vmem>>) semaphore(%run_scoped3A : memref<!tpu.dma_semaphore, #tpu.memory_space<semaphore_mem>>) {add = true}
        %dma_wait3A_134 = arith.constant 0 : i32
        %dma_wait3A_135 = tpu.memref_slice %arg9[%add3A_120, %dma_wait3A_134] : memref<32x128xi32, #tpu.memory_space<vmem>> -> memref<1x128xi32, #tpu.memory_space<vmem>>
        %dma_wait3A_136 = tpu.memref_squeeze %dma_wait3A_135 : memref<1x128xi32, #tpu.memory_space<vmem>> -> memref<128xi32, #tpu.memory_space<vmem>>
        %dma_wait3A_137 = arith.constant 0 : i32
        %dma_wait3A_138 = tpu.memref_slice %arg14[%dma_wait3A_137] : memref<10112xf32, #tpu.memory_space<vmem_shared>> -> memref<10112xf32, #tpu.memory_space<vmem_shared>>
        tpu.wait_indirect_dma semaphore(%run_scoped3A : memref<!tpu.dma_semaphore, #tpu.memory_space<semaphore_mem>>) src(%arg11 : memref<128xf32, #tpu.memory_space<vmem>>) dst(%dma_wait3A_138 : memref<10112xf32, #tpu.memory_space<vmem_shared>>)
        tpu.yield
      }) : () -> ()
      %mul3A_121 = arith.constant 2 : i32
      %mul3A_122 = arith.muli %mul3A_121, %add3A_102 : i32
      %add3A_123 = arith.constant 1 : i32
      %add3A_124 = arith.addi %mul3A_122, %add3A_123 : i32
      "tpu.region"() ({
        %run_scoped3A = tpu.sem_alloc : memref<!tpu.dma_semaphore, #tpu.memory_space<semaphore_mem>>
        %dma_start3A_129 = arith.constant 128 : i32
        %dma_start3A_130 = arith.constant 0 : i32
        %dma_start3A_131 = tpu.memref_slice %arg10[%dma_start3A_129, %dma_start3A_130] : memref<256x128xf32, #tpu.memory_space<vmem>> -> memref<128x128xf32, #tpu.memory_space<vmem>>
        %dma_start3A_132 = arith.constant 0 : i32
        %dma_start3A_133 = tpu.memref_slice %arg9[%add3A_124, %dma_start3A_132] : memref<32x128xi32, #tpu.memory_space<vmem>> -> memref<1x128xi32, #tpu.memory_space<vmem>>
        %dma_start3A_134 = tpu.memref_squeeze %dma_start3A_133 : memref<1x128xi32, #tpu.memory_space<vmem>> -> memref<128xi32, #tpu.memory_space<vmem>>
        %dma_start3A_135 = arith.constant 0 : i32
        %dma_start3A_136 = arith.constant 0 : i32
        %dma_start3A_137 = tpu.memref_slice %arg13[%dma_start3A_135, %dma_start3A_136] : memref<10112x128xf32, #tpu.memory_space<vmem_shared>> -> memref<10112x128xf32, #tpu.memory_space<vmem_shared>>
        tpu.enqueue_indirect_dma source(%dma_start3A_131 : memref<128x128xf32, #tpu.memory_space<vmem>>) target(%dma_start3A_137 : memref<10112x128xf32, #tpu.memory_space<vmem_shared>>) offsets(%dma_start3A_134 : memref<128xi32, #tpu.memory_space<vmem>>) semaphore(%run_scoped3A : memref<!tpu.dma_semaphore, #tpu.memory_space<semaphore_mem>>) {add = true}
        %dma_wait3A_138 = arith.constant 128 : i32
        %dma_wait3A_139 = arith.constant 0 : i32
        %dma_wait3A_140 = tpu.memref_slice %arg10[%dma_wait3A_138, %dma_wait3A_139] : memref<256x128xf32, #tpu.memory_space<vmem>> -> memref<128x128xf32, #tpu.memory_space<vmem>>
        %dma_wait3A_141 = arith.constant 0 : i32
        %dma_wait3A_142 = tpu.memref_slice %arg9[%add3A_124, %dma_wait3A_141] : memref<32x128xi32, #tpu.memory_space<vmem>> -> memref<1x128xi32, #tpu.memory_space<vmem>>
        %dma_wait3A_143 = tpu.memref_squeeze %dma_wait3A_142 : memref<1x128xi32, #tpu.memory_space<vmem>> -> memref<128xi32, #tpu.memory_space<vmem>>
        %dma_wait3A_144 = arith.constant 0 : i32
        %dma_wait3A_145 = arith.constant 0 : i32
        %dma_wait3A_146 = tpu.memref_slice %arg13[%dma_wait3A_144, %dma_wait3A_145] : memref<10112x128xf32, #tpu.memory_space<vmem_shared>> -> memref<10112x128xf32, #tpu.memory_space<vmem_shared>>
        tpu.wait_indirect_dma semaphore(%run_scoped3A : memref<!tpu.dma_semaphore, #tpu.memory_space<semaphore_mem>>) src(%dma_wait3A_140 : memref<128x128xf32, #tpu.memory_space<vmem>>) dst(%dma_wait3A_146 : memref<10112x128xf32, #tpu.memory_space<vmem_shared>>)
        tpu.yield
      }) : () -> ()
      %mul3A_125 = arith.constant 2 : i32
      %mul3A_126 = arith.muli %mul3A_125, %add3A_102 : i32
      %add3A_127 = arith.constant 1 : i32
      %add3A_128 = arith.addi %mul3A_126, %add3A_127 : i32
      "tpu.region"() ({
        %run_scoped3A = tpu.sem_alloc : memref<!tpu.dma_semaphore, #tpu.memory_space<semaphore_mem>>
        %dma_start3A_129 = arith.constant 0 : i32
        %dma_start3A_130 = tpu.memref_slice %arg9[%add3A_128, %dma_start3A_129] : memref<32x128xi32, #tpu.memory_space<vmem>> -> memref<1x128xi32, #tpu.memory_space<vmem>>
        %dma_start3A_131 = tpu.memref_squeeze %dma_start3A_130 : memref<1x128xi32, #tpu.memory_space<vmem>> -> memref<128xi32, #tpu.memory_space<vmem>>
        %dma_start3A_132 = arith.constant 0 : i32
        %dma_start3A_133 = tpu.memref_slice %arg14[%dma_start3A_132] : memref<10112xf32, #tpu.memory_space<vmem_shared>> -> memref<10112xf32, #tpu.memory_space<vmem_shared>>
        tpu.enqueue_indirect_dma source(%arg11 : memref<128xf32, #tpu.memory_space<vmem>>) target(%dma_start3A_133 : memref<10112xf32, #tpu.memory_space<vmem_shared>>) offsets(%dma_start3A_131 : memref<128xi32, #tpu.memory_space<vmem>>) semaphore(%run_scoped3A : memref<!tpu.dma_semaphore, #tpu.memory_space<semaphore_mem>>) {add = true}
        %dma_wait3A_134 = arith.constant 0 : i32
        %dma_wait3A_135 = tpu.memref_slice %arg9[%add3A_128, %dma_wait3A_134] : memref<32x128xi32, #tpu.memory_space<vmem>> -> memref<1x128xi32, #tpu.memory_space<vmem>>
        %dma_wait3A_136 = tpu.memref_squeeze %dma_wait3A_135 : memref<1x128xi32, #tpu.memory_space<vmem>> -> memref<128xi32, #tpu.memory_space<vmem>>
        %dma_wait3A_137 = arith.constant 0 : i32
        %dma_wait3A_138 = tpu.memref_slice %arg14[%dma_wait3A_137] : memref<10112xf32, #tpu.memory_space<vmem_shared>> -> memref<10112xf32, #tpu.memory_space<vmem_shared>>
        tpu.wait_indirect_dma semaphore(%run_scoped3A : memref<!tpu.dma_semaphore, #tpu.memory_space<semaphore_mem>>) src(%arg11 : memref<128xf32, #tpu.memory_space<vmem>>) dst(%dma_wait3A_138 : memref<10112xf32, #tpu.memory_space<vmem_shared>>)
        tpu.yield
      }) : () -> ()
    }
    %scan3A_89 = arith.constant 16 : i32
    %barrier3A_90 = arith.constant 0 : index
    tpu.barrier barrier_id(%barrier3A_90)
    "tpu.region"() ({
      %run_scoped3A = tpu.sem_alloc : memref<!tpu.dma_semaphore, #tpu.memory_space<semaphore_mem>>
      %dma_start3A = arith.constant 0 : i32
      %dma_start3A_98 = tpu.memref_slice %arg5[%arg0, %mul3A_2, %dma_start3A] : memref<2x10112x128xf32, #tpu.memory_space<hbm>> -> memref<1x632x128xf32, #tpu.memory_space<hbm>>
      %dma_start3A_99 = tpu.memref_squeeze %dma_start3A_98 : memref<1x632x128xf32, #tpu.memory_space<hbm>> -> memref<632x128xf32, #tpu.memory_space<hbm>>
      %dma_start3A_100 = arith.constant 0 : i32
      %dma_start3A_101 = tpu.memref_slice %arg13[%mul3A_2, %dma_start3A_100] : memref<10112x128xf32, #tpu.memory_space<vmem_shared>> -> memref<632x128xf32, #tpu.memory_space<vmem_shared>>
      tpu.enqueue_dma source(%dma_start3A_101 : memref<632x128xf32, #tpu.memory_space<vmem_shared>>) target(%dma_start3A_99 : memref<632x128xf32, #tpu.memory_space<hbm>>) target_semaphore(%run_scoped3A : memref<!tpu.dma_semaphore, #tpu.memory_space<semaphore_mem>>)
      %dma_wait3A = arith.constant 0 : i32
      %dma_wait3A_102 = tpu.memref_slice %arg5[%arg0, %mul3A_2, %dma_wait3A] : memref<2x10112x128xf32, #tpu.memory_space<hbm>> -> memref<1x632x128xf32, #tpu.memory_space<hbm>>
      %dma_wait3A_103 = tpu.memref_squeeze %dma_wait3A_102 : memref<1x632x128xf32, #tpu.memory_space<hbm>> -> memref<632x128xf32, #tpu.memory_space<hbm>>
      %dma_wait3A_104 = arith.constant 0 : i32
      %dma_wait3A_105 = tpu.memref_slice %arg13[%mul3A_2, %dma_wait3A_104] : memref<10112x128xf32, #tpu.memory_space<vmem_shared>> -> memref<632x128xf32, #tpu.memory_space<vmem_shared>>
      tpu.wait_dma2 semaphore(%run_scoped3A : memref<!tpu.dma_semaphore, #tpu.memory_space<semaphore_mem>>) src(%dma_wait3A_105 : memref<632x128xf32, #tpu.memory_space<vmem_shared>>) dst(%dma_wait3A_103 : memref<632x128xf32, #tpu.memory_space<hbm>>)
      tpu.yield
    }) : () -> ()
    "tpu.region"() ({
      %run_scoped3A = tpu.sem_alloc : memref<!tpu.dma_semaphore, #tpu.memory_space<semaphore_mem>>
      %dma_start3A = tpu.memref_slice %arg14[%mul3A_2] : memref<10112xf32, #tpu.memory_space<vmem_shared>> -> memref<632xf32, #tpu.memory_space<vmem_shared>>
      %dma_start3A_98 = tpu.memref_slice %arg14[%mul3A_2] : memref<10112xf32, #tpu.memory_space<vmem_shared>> -> memref<632xf32, #tpu.memory_space<vmem_shared>>
      tpu.enqueue_dma source(%dma_start3A_98 : memref<632xf32, #tpu.memory_space<vmem_shared>>) target(%arg12 : memref<632xf32, #tpu.memory_space<vmem>>) target_semaphore(%run_scoped3A : memref<!tpu.dma_semaphore, #tpu.memory_space<semaphore_mem>>)
      %dma_wait3A = tpu.memref_slice %arg14[%mul3A_2] : memref<10112xf32, #tpu.memory_space<vmem_shared>> -> memref<632xf32, #tpu.memory_space<vmem_shared>>
      %dma_wait3A_99 = tpu.memref_slice %arg14[%mul3A_2] : memref<10112xf32, #tpu.memory_space<vmem_shared>> -> memref<632xf32, #tpu.memory_space<vmem_shared>>
      tpu.wait_dma2 semaphore(%run_scoped3A : memref<!tpu.dma_semaphore, #tpu.memory_space<semaphore_mem>>) src(%dma_wait3A_99 : memref<632xf32, #tpu.memory_space<vmem_shared>>) dst(%arg12 : memref<632xf32, #tpu.memory_space<vmem>>)
      tpu.yield
    }) : () -> ()
    %eq3A = arith.constant 0 : i32
    %eq3A_91 = arith.cmpi eq, %arg0, %eq3A : i32
    %convert_element_type3A = arith.extui %eq3A_91 : i1 to i32
    %cond3A = arith.constant 0 : i32
    %cond3A_92 = arith.cmpi ne, %convert_element_type3A, %cond3A : i32
    scf.if %cond3A_92 {
      "tpu.region"() ({
        %run_scoped3A = tpu.sem_alloc : memref<!tpu.dma_semaphore, #tpu.memory_space<semaphore_mem>>
        %dma_start3A = tpu.memref_slice %arg6[%mul3A_2] : memref<10112xf32, #tpu.memory_space<hbm>> -> memref<632xf32, #tpu.memory_space<hbm>>
        %dma_start3A_98 = tpu.memref_slice %arg6[%mul3A_2] : memref<10112xf32, #tpu.memory_space<hbm>> -> memref<632xf32, #tpu.memory_space<hbm>>
        tpu.enqueue_dma source(%arg12 : memref<632xf32, #tpu.memory_space<vmem>>) target(%dma_start3A_98 : memref<632xf32, #tpu.memory_space<hbm>>) target_semaphore(%run_scoped3A : memref<!tpu.dma_semaphore, #tpu.memory_space<semaphore_mem>>)
        %dma_wait3A = tpu.memref_slice %arg6[%mul3A_2] : memref<10112xf32, #tpu.memory_space<hbm>> -> memref<632xf32, #tpu.memory_space<hbm>>
        %dma_wait3A_99 = tpu.memref_slice %arg6[%mul3A_2] : memref<10112xf32, #tpu.memory_space<hbm>> -> memref<632xf32, #tpu.memory_space<hbm>>
        tpu.wait_dma2 semaphore(%run_scoped3A : memref<!tpu.dma_semaphore, #tpu.memory_space<semaphore_mem>>) src(%arg12 : memref<632xf32, #tpu.memory_space<vmem>>) dst(%dma_wait3A_99 : memref<632xf32, #tpu.memory_space<hbm>>)
        tpu.yield
      }) : () -> ()
    } else {
    }
    %eq3A_93 = arith.constant 1 : i32
    %eq3A_94 = arith.cmpi eq, %arg0, %eq3A_93 : i32
    %convert_element_type3A_95 = arith.extui %eq3A_94 : i1 to i32
    %cond3A_96 = arith.constant 0 : i32
    %cond3A_97 = arith.cmpi ne, %convert_element_type3A_95, %cond3A_96 : i32
    scf.if %cond3A_97 {
      "tpu.region"() ({
        %run_scoped3A = tpu.sem_alloc : memref<!tpu.dma_semaphore, #tpu.memory_space<semaphore_mem>>
        %dma_start3A = tpu.memref_slice %arg7[%mul3A_2] : memref<10112xf32, #tpu.memory_space<hbm>> -> memref<632xf32, #tpu.memory_space<hbm>>
        %dma_start3A_98 = tpu.memref_slice %arg7[%mul3A_2] : memref<10112xf32, #tpu.memory_space<hbm>> -> memref<632xf32, #tpu.memory_space<hbm>>
        tpu.enqueue_dma source(%arg12 : memref<632xf32, #tpu.memory_space<vmem>>) target(%dma_start3A_98 : memref<632xf32, #tpu.memory_space<hbm>>) target_semaphore(%run_scoped3A : memref<!tpu.dma_semaphore, #tpu.memory_space<semaphore_mem>>)
        %dma_wait3A = tpu.memref_slice %arg7[%mul3A_2] : memref<10112xf32, #tpu.memory_space<hbm>> -> memref<632xf32, #tpu.memory_space<hbm>>
        %dma_wait3A_99 = tpu.memref_slice %arg7[%mul3A_2] : memref<10112xf32, #tpu.memory_space<hbm>> -> memref<632xf32, #tpu.memory_space<hbm>>
        tpu.wait_dma2 semaphore(%run_scoped3A : memref<!tpu.dma_semaphore, #tpu.memory_space<semaphore_mem>>) src(%arg12 : memref<632xf32, #tpu.memory_space<vmem>>) dst(%dma_wait3A_99 : memref<632xf32, #tpu.memory_space<hbm>>)
        tpu.yield
      }) : () -> ()
    } else {
    }
    return
  }
}

module attributes {stable_mosaic.version = 14 : i64} {
  func.func @_tc_body(%arg0: i32, %arg1: memref<2x1000x128xf32, #tpu.memory_space<vmem>>, %arg2: memref<1000x1xf32, #tpu.memory_space<vmem>>, %arg3: memref<1000x1xf32, #tpu.memory_space<vmem>>, %arg4: memref<1000x128xf32, #tpu.memory_space<vmem>>, %arg5: memref<128x128xf32, #tpu.memory_space<vmem>>, %arg6: memref<128x128xf32, #tpu.memory_space<vmem>>, %arg7: memref<1x128xf32, #tpu.memory_space<vmem>>, %arg8: memref<1000x128xf32, #tpu.memory_space<vmem>>) attributes {dimension_semantics = [#tpu.dimension_semantics<arbitrary>], iteration_bounds = array<i64: 10>, scalar_prefetch = 0 : i64, scratch_operands = 0 : i64, tpu.core_type = #tpu.core_type<tc>, window_params = [{transform_indices = @transform_0, window_bounds = array<i64: 2, 1000, 128>}, {transform_indices = @transform_1, window_bounds = array<i64: 1000, 1>}, {transform_indices = @transform_2, window_bounds = array<i64: 1000, 1>}, {transform_indices = @transform_3, window_bounds = array<i64: 1000, 128>}, {pipeline_mode = #tpu.pipeline_mode<synchronous>, transform_indices = @transform_4, window_bounds = array<i64: 128, 128>}, {pipeline_mode = #tpu.pipeline_mode<synchronous>, transform_indices = @transform_5, window_bounds = array<i64: 128, 128>}, {pipeline_mode = #tpu.pipeline_mode<synchronous>, transform_indices = @transform_6, window_bounds = array<i64: 1, 128>}, {transform_indices = @transform_7, window_bounds = array<i64: 1000, 128>}]} {
    %get3A = arith.constant 0 : index
    %get3A_0 = arith.constant 0 : index
    %get3A_1 = arith.constant 0 : index
    %get3A_2 = vector.load %arg1[%get3A, %get3A_0, %get3A_1] : memref<2x1000x128xf32, #tpu.memory_space<vmem>>, vector<1x1000x128xf32>
    %get3A_3 = vector.shape_cast %get3A_2 : vector<1x1000x128xf32> to vector<1000x128xf32>
    %get3A_4 = arith.constant 1 : index
    %get3A_5 = arith.constant 0 : index
    %get3A_6 = arith.constant 0 : index
    %get3A_7 = vector.load %arg1[%get3A_4, %get3A_5, %get3A_6] : memref<2x1000x128xf32, #tpu.memory_space<vmem>>, vector<1x1000x128xf32>
    %get3A_8 = vector.shape_cast %get3A_7 : vector<1x1000x128xf32> to vector<1000x128xf32>
    %add3A = arith.addf %get3A_3, %get3A_8 : vector<1000x128xf32>
    %get3A_9 = arith.constant 0 : index
    %get3A_10 = arith.constant 0 : index
    %get3A_11 = vector.load %arg2[%get3A_9, %get3A_10] : memref<1000x1xf32, #tpu.memory_space<vmem>>, vector<1000x1xf32>
    %get3A_12 = arith.constant 0 : index
    %get3A_13 = arith.constant 0 : index
    %get3A_14 = vector.load %arg3[%get3A_12, %get3A_13] : memref<1000x1xf32, #tpu.memory_space<vmem>>, vector<1000x1xf32>
    %add3A_15 = arith.addf %get3A_11, %get3A_14 : vector<1000x1xf32>
    %max3A = arith.constant 1.000000e+00 : f32
    %max3A_16 = vector.broadcast %max3A : f32 to vector<1000x1xf32>
    %max3A_17 = arith.maximumf %add3A_15, %max3A_16 : vector<1000x1xf32>
    %div3A = vector.broadcast %max3A_17 : vector<1000x1xf32> to vector<1000x128xf32>
    %div3A_18 = arith.divf %add3A, %div3A : vector<1000x128xf32>
    %get3A_19 = arith.constant 0 : index
    %get3A_20 = arith.constant 0 : index
    %get3A_21 = vector.load %arg5[%get3A_19, %get3A_20] : memref<128x128xf32, #tpu.memory_space<vmem>>, vector<128x128xf32>
    %dot_general3A = arith.constant dense<0.000000e+00> : vector<1000x128xf32>
    %dot_general3A_22 = tpu.matmul %div3A_18, %get3A_21, %dot_general3A {dimension_numbers = #tpu.dot_dimension_numbers<[1], [0], [0], [1], [0, 0, 1, 1], [], []>, transpose_lhs_hint = false} : vector<1000x128xf32>, vector<128x128xf32>, vector<1000x128xf32> -> vector<1000x128xf32>
    %get3A_23 = arith.constant 0 : index
    %get3A_24 = arith.constant 0 : index
    %get3A_25 = vector.load %arg7[%get3A_23, %get3A_24] : memref<1x128xf32, #tpu.memory_space<vmem>>, vector<1x128xf32>
    %add3A_26 = vector.broadcast %get3A_25 : vector<1x128xf32> to vector<1000x128xf32>
    %add3A_27 = arith.addf %dot_general3A_22, %add3A_26 : vector<1000x128xf32>
    %get3A_28 = arith.constant 0 : index
    %get3A_29 = arith.constant 0 : index
    %get3A_30 = vector.load %arg4[%get3A_28, %get3A_29] : memref<1000x128xf32, #tpu.memory_space<vmem>>, vector<1000x128xf32>
    %get3A_31 = arith.constant 0 : index
    %get3A_32 = arith.constant 0 : index
    %get3A_33 = vector.load %arg6[%get3A_31, %get3A_32] : memref<128x128xf32, #tpu.memory_space<vmem>>, vector<128x128xf32>
    %dot_general3A_34 = arith.constant dense<0.000000e+00> : vector<1000x128xf32>
    %dot_general3A_35 = tpu.matmul %get3A_30, %get3A_33, %dot_general3A_34 {dimension_numbers = #tpu.dot_dimension_numbers<[1], [0], [0], [1], [0, 0, 1, 1], [], []>, transpose_lhs_hint = false} : vector<1000x128xf32>, vector<128x128xf32>, vector<1000x128xf32> -> vector<1000x128xf32>
    %add3A_36 = arith.addf %add3A_27, %dot_general3A_35 : vector<1000x128xf32>
    %max3A_37 = arith.constant 0.000000e+00 : f32
    %max3A_38 = vector.broadcast %max3A_37 : f32 to vector<1000x128xf32>
    %max3A_39 = arith.maximumf %add3A_36, %max3A_38 : vector<1000x128xf32>
    %swap3A = arith.constant 0 : index
    %swap3A_40 = arith.constant 0 : index
    %swap3A_41 = vector.load %arg8[%swap3A, %swap3A_40] : memref<1000x128xf32, #tpu.memory_space<vmem>>, vector<1000x128xf32>
    tpu.vector_store %arg8[%swap3A, %swap3A_40], %max3A_39 {strides = array<i32>} : memref<1000x128xf32, #tpu.memory_space<vmem>>, vector<1000x128xf32>,
    return
  }
  func.func @transform_0(%arg0: i32) -> (i32, i32, i32) {
    %c0_i32 = arith.constant 0 : i32
    %c0_i32_0 = arith.constant 0 : i32
    %c0_i32_1 = arith.constant 0 : i32
    return %c0_i32, %arg0, %c0_i32_0 : i32, i32, i32
  }
  func.func @transform_1(%arg0: i32) -> (i32, i32) {
    %c0_i32 = arith.constant 0 : i32
    %c0_i32_0 = arith.constant 0 : i32
    return %arg0, %c0_i32 : i32, i32
  }
  func.func @transform_2(%arg0: i32) -> (i32, i32) {
    %c0_i32 = arith.constant 0 : i32
    %c0_i32_0 = arith.constant 0 : i32
    return %arg0, %c0_i32 : i32, i32
  }
  func.func @transform_3(%arg0: i32) -> (i32, i32) {
    %c0_i32 = arith.constant 0 : i32
    %c0_i32_0 = arith.constant 0 : i32
    return %arg0, %c0_i32 : i32, i32
  }
  func.func @transform_4(%arg0: i32) -> (i32, i32) {
    %c0_i32 = arith.constant 0 : i32
    %c0_i32_0 = arith.constant 0 : i32
    %c0_i32_1 = arith.constant 0 : i32
    return %c0_i32, %c0_i32_0 : i32, i32
  }
  func.func @transform_5(%arg0: i32) -> (i32, i32) {
    %c0_i32 = arith.constant 0 : i32
    %c0_i32_0 = arith.constant 0 : i32
    %c0_i32_1 = arith.constant 0 : i32
    return %c0_i32, %c0_i32_0 : i32, i32
  }
  func.func @transform_6(%arg0: i32) -> (i32, i32) {
    %c0_i32 = arith.constant 0 : i32
    %c0_i32_0 = arith.constant 0 : i32
    %c0_i32_1 = arith.constant 0 : i32
    return %c0_i32, %c0_i32_0 : i32, i32
  }
  func.func @transform_7(%arg0: i32) -> (i32, i32) {
    %c0_i32 = arith.constant 0 : i32
    %c0_i32_0 = arith.constant 0 : i32
    return %arg0, %c0_i32 : i32, i32
  }
}

</mosaic_0001>

<sc_bundles>
// kernel: kernel.4.cloned.1.call-start
scs
__scs_entry_jumppad:
0x0: {  	(pc) =	sbr.rel $0x88, $3  }
0x1: {  	(tag) =	ssettag $0x0;
	lr =	simm.s32 $0x1  }
0x2: {  	[smem:$0x3F9A] =	sst lr;
	_ =	strace $0xD0000000  }
0x3: {  	_ = 	snop  }
0x4: {  	_ = 	snop  }
0x5: {  	_ = 	snop  }
0x6: {  	_ = 	snop  }
0x7: {  	_ = 	snop  }
__scs_overlays_trampoline_lowered:
0x8: {  	[smem:$0x3FA9] =	sst s0  }
0x9: {  	[smem:$0x3FAA] =	sst s1  }
0xa: {  	[smem:$0x3FAB] =	sst s2  }
0xb: {  	[smem:$0x3FAC] =	sst s3  }
0xc: {  	[smem:$0x3FAD] =	sst s4  }
0xd: {  	[smem:$0x3FAE] =	sst s5  }
0xe: {  	[smem:$0x3FAF] =	sst s6  }
0xf: {  	[smem:$0x3FB0] =	sst s7  }
0x10: {  	[smem:$0x3FB1] =	sst s8  }
0x11: {  	[smem:$0x3FB2] =	sst s9;
	s0 =	simm.s32 @!p0 $0x0  }
0x12: {  	s1 =	sld [smem:$0x3F98];
	s0 =	simm.s32 @p0 $0x1  }
0x13: {  	[smem:$0x3FB3] =	sst s0;
	s0 =	simm.s32 @!p1 $0x0  }
0x14: {  	s2 =	sld [smem:$0x3F97];
	s0 =	simm.s32 @p1 $0x1  }
0x15: {  	[smem:$0x3FB4] =	sst s0;
	s0 =	simm.s32 @!p2 $0x0  }
0x16: {  	s3 =	sld [smem:$0x3FDB];
	s0 =	simm.s32 @p2 $0x1  }
0x17: {  	s4 =	simm.s32 $0x1BF5;
	[smem:$0x3FB6] =	sst s0  }
0x18: {  	s0 =	sld [smem:$0x3F99];
	_ =	swait.ge [sflag:s4], $0x0  }
0x19: {  	s7 =	sld [smem:$0x3F9A]  }
0x1a: {  	s8 =	sadd.s32 $0xFFFFE003, lr  }
0x1b: {  	s9 =	sadd.s32 $0xFFFFFEF7, lr;
	s5 =	simm.s32 $0xFFFFFFFF;
	p2 =	slt.u32 s8, $0xFFFFF086  }
0x1c: {  	p1 =	slt.u32 s9, $0xF7A;
	s5 =	simm.s32 @!p2 $0x0  }
0x1d: {  	s5 =	simm.s32 @p1 $0x1;
	p0 =	seq.s32 s7, s2  }
0x1e: {  	s7 =	smul.u32 @!p0 $0xF7A, s2;
	p2 =	seq.s32 @!p0 s5, $0x0  }
0x1f: {  	s9 =	smul.u32 $0xF7A, s1;
	s8 =	simm.s32 @!p0 $0x1BF5;
	p2 =	por !p2, p0  }
0x20: {  	[sflag:s8] =	ssyncset.s32 @!p0 $0xFFFFF086;
	s6 =	sadd.s32 @!p0 s3, s7;
	s7 =	simm.s32 @!p0 $0x108  }
0x21: {  	s3 =	sadd.s32 s3, s9;
	s6 =	sadd.s32 @!p0 $0x88, s6;
	s7 =	simm.s32 @p2 $0x1082  }
0x22: {  	[simem:s7], [sflag:s8] =	dma.local @!p0 [hbm:s6], $0xF7A  }
0x23: {  	s9 =	sor.u32 $0xD0000000, s2;
	s6 =	simm.s32 $0x108;
	_ =	swait.ge @!p0 [sflag:s8], $0x0  }
0x24: {  	s3 =	sadd.s32 $0x88, s3;
	s6 =	simm.s32 @!p1 $0x1082;
	[sflag:s4] =	ssyncset.s32 $0xFFFFF086  }
0x25: {  	[simem:s6], [sflag:s4] =	dma.local [hbm:s3], $0xF7A  }
0x26: {  	[smem:$0x3F9A] =	sst s1;
	(tag) =	ssettag s2;
	_ =	strace s9  }
0x27: {  	s1 =	sld [smem:$0x3FAA]  }
0x28: {  	s2 =	sld [smem:$0x3FAB]  }
0x29: {  	s4 =	sld [smem:$0x3FAD]  }
0x2a: {  	p0 =	seq.s32 s5, $0x0;
	s5 =	sld [smem:$0x3FAE]  }
0x2b: {  	s6 =	sld [smem:$0x3FAF]  }
0x2c: {  	s7 =	sld [smem:$0x3FB0]  }
0x2d: {  	s3 =	simm.s32 $0x108;
	s8 =	sld [smem:$0x3FB1]  }
0x2e: {  	s3 =	simm.s32 @!p0 $0x1082;
	s9 =	sld [smem:$0x3FB2]  }
0x2f: {  	lr =	sadd.s32 s0, s3;
	s0 =	sld [smem:$0x3FA9]  }
0x30: {  	s3 =	sld [smem:$0x3FAC]  }
0x31: {  	[smem:$0x3FB5] =	sst s10  }
0x32: {  	s10 =	sld [smem:$0x3FB3];
	_ =	sdelay $0x3  }
0x33: {  	p0 =	seq.s32 s10, $0x1;
	s10 =	sld [smem:$0x3FB5];
	_ =	sdelay $0x3  }
0x34: {  	[smem:$0x3FB5] =	sst s10  }
0x35: {  	s10 =	sld [smem:$0x3FB4];
	_ =	sdelay $0x3  }
0x36: {  	p1 =	seq.s32 s10, $0x1;
	s10 =	sld [smem:$0x3FB5];
	_ =	sdelay $0x3  }
0x37: {  	[smem:$0x3FB5] =	sst s10  }
0x38: {  	s10 =	sld [smem:$0x3FB6]  }
0x39: {  	_ = 	snop;
	(pc) =	sbr.ind lr, $3  }
0x3a: {  	_ = 	snop  }
0x3b: {  	_ = 	snop  }
0x3c: {  	p2 =	seq.s32 s10, $0x1;
	s10 =	sld [smem:$0x3FB5]  }
0x3d: {  	_ =	shalt  }
0x3e: {  	_ =	shalt  }
0x3f: {  	_ =	shalt  }
0x40: {  	_ =	shalt  }
0x41: {  	_ =	shalt  }
0x42: {  	_ =	shalt  }
0x43: {  	_ =	shalt  }
0x44: {  	_ =	shalt  }
0x45: {  	_ =	shalt  }
0x46: {  	_ =	shalt  }
0x47: {  	_ =	shalt  }
0x48: {  	_ =	shalt  }
0x49: {  	_ =	shalt  }
0x4a: {  	_ =	shalt  }
0x4b: {  	_ =	shalt  }
0x4c: {  	_ =	shalt  }
0x4d: {  	_ =	shalt  }
0x4e: {  	_ =	shalt  }
0x4f: {  	_ =	shalt  }
0x50: {  	_ =	shalt  }
0x51: {  	_ =	shalt  }
0x52: {  	_ =	shalt  }
0x53: {  	_ =	shalt  }
0x54: {  	_ =	shalt  }
0x55: {  	_ =	shalt  }
0x56: {  	_ =	shalt  }
0x57: {  	_ =	shalt  }
0x58: {  	_ =	shalt  }
0x59: {  	_ =	shalt  }
0x5a: {  	_ =	shalt  }
0x5b: {  	_ =	shalt  }
0x5c: {  	_ =	shalt  }
0x5d: {  	_ =	shalt  }
0x5e: {  	_ =	shalt  }
0x5f: {  	_ =	shalt  }
0x60: {  	_ =	shalt  }
0x61: {  	_ =	shalt  }
0x62: {  	_ =	shalt  }
0x63: {  	_ =	shalt  }
0x64: {  	_ =	shalt  }
0x65: {  	_ =	shalt  }
0x66: {  	_ =	shalt  }
0x67: {  	_ =	shalt  }
0x68: {  	_ =	shalt  }
0x69: {  	_ =	shalt  }
0x6a: {  	_ =	shalt  }
0x6b: {  	_ =	shalt  }
0x6c: {  	_ =	shalt  }
0x6d: {  	_ =	shalt  }
0x6e: {  	_ =	shalt  }
0x6f: {  	_ =	shalt  }
0x70: {  	_ =	shalt  }
0x71: {  	_ =	shalt  }
0x72: {  	_ =	shalt  }
0x73: {  	_ =	shalt  }
0x74: {  	_ =	shalt  }
0x75: {  	_ =	shalt  }
0x76: {  	_ =	shalt  }
0x77: {  	_ =	shalt  }
0x78: {  	_ =	shalt  }
0x79: {  	_ =	shalt  }
0x7a: {  	_ =	shalt  }
0x7b: {  	_ =	shalt  }
0x7c: {  	_ =	shalt  }
0x7d: {  	_ =	shalt  }
0x7e: {  	_ =	shalt  }
0x7f: {  	_ =	shalt  }
0x80: {  	_ =	shalt  }
0x81: {  	_ =	shalt  }
0x82: {  	_ =	shalt  }
0x83: {  	_ =	shalt  }
0x84: {  	_ =	shalt  }
0x85: {  	_ =	shalt  }
0x86: {  	_ =	shalt  }
0x87: {  	_ =	shalt  }
.Lfunc_end0:
.L_simem_size_0:
called_computation_lowered:
.L_overlay_start_0:
0x88: {  	s2 =	sld [smem:$0x3FD9]  }
0x89: {  	s3 =	sld [smem:$0x3FFE];
	_ =	sdelay $0x1  }
0x8a: {  	s1 =	srdreg.scid  }
0x8b: {  	s0 =	sand.u32 $0x1, s1  }
0x8c: {  	s17 =	sshll.u32 s0, $0xA;
	s2 =	sadd.s32 s3, s2  }
0x8d: {  	s2 =	sadd.s32 s2, s17  }
0x8e: {  	[smem:$0x3FC1] =	sst s2  }
0x8f: {  	_ = 	snop  }
0x90: {  	s2 =	sld [smem:$0x3FC8]  }
0x91: {  	s18 =	sld [smem:$0x3FD0];
	(tm) =	ssettm $0x1  }
0x92: {  	s4 =	sld [smem:$0x3FFB];
	_ =	sdelay $0x3  }
0x93: {  	_ =	strace s4  }
0x94: {  	s4 =	sld [smem:$0x3FFC];
	_ =	sdelay $0x3  }
0x95: {  	_ =	strace s4  }
0x96: {  	s4 =	sld [smem:$0x3FFD];
	_ =	sdelay $0x3  }
0x97: {  	_ =	strace s4  }
0x98: {  	_ =	strace $0x8FFFFFFF  }
0x99: {  	s19 =	sld [smem:$0x3FDB];
	_ =	sdelay $0x1  }
0x9a: {  	s5 =	simm.s32 $_scs_section_size  }
0x9b: {  	s6 =	simm.s32 $_size__tile_overlayer_lowered;
	s7 =	simm.s32 $_tile_overlayer_lowered  }
0x9c: {  	s22 =	simm.s32 $0x1BFF;
	s21 =	sshll.u32 s7, $0x1;
	s4 =	sadd.s32 s5, s19  }
0x9d: {  	s8 =	simm.s32 $0x0;
	s20 =	sshll.u32 s6, $0x1;
	s6 =	sadd.s32 s21, s4  }
0x9e: {  	[timem:s8], [sflag:s22] =	dma.local [hbm:s6], s20  }
0x9f: {  	_ =	swait.ge [sflag:s22], s20  }
0xa0: {  	s5 =	ssub.s32 $0x0, s20;
	[sflag:s22] =	ssyncset.done $0x0  }
0xa1: {  	[sflag:s22] =	ssyncadd.s32 s5;
	_ =	sdelay $0x1  }
0xa2: {  	s23 =	simm.s32 $0x1B8B  }
0xa3: {  	_ =	swait.ge [sflag:s23], $0x1  }
0xa4: {  	[sflag:s23] =	ssyncset.done $0x0  }
0xa5: {  	s25 =	simm.s32 $0x1B8E;
	s24 =	sld [smem:$0x3FFE];
	[sflag:s23] =	ssyncadd.s32 $0xFFFFFFFF  }
0xa6: {  	s26 =	simm.s32 $execute0_lowered;
	[smem:$0x3FD2] =	sst s25  }
0xa7: {  	s6 =	sshll.u32 s26, $0x1;
	_ =	strace $0x80000046;
	[dreg:$0x1] =	wrdreg $0xFFFFFFFF  }
0xa8: {  	s28 =	simm.s32 $_size_execute0_lowered;
	s4 =	sadd.s32 s4, s6;
	[dreg:$0x0] =	wrdreg $0x0  }
0xa9: {  	s6 =	sshll.u32 s28, $0x1;
	[dreg:$0x2] =	wrdreg s4  }
0xaa: {  	[dreg:$0x3] =	wrdreg s6  }
0xab: {  	[dreg:$0x4] =	wrdreg $0xC0  }
0xac: {  	_ =	task [dreg:s8], $0x5FFFF  }
0xad: {  	[dreg:$0x1] =	wrdreg $0xFFFFFFFF  }
0xae: {  	[dreg:$0x0] =	wrdreg $0x60  }
0xaf: {  	[dreg:$0x2] =	wrdreg s2  }
0xb0: {  	[dreg:$0x3] =	wrdreg s18  }
0xb1: {  	[dreg:$0x4] =	wrdreg s24  }
0xb2: {  	[dreg:$0x5] =	wrdreg $0xA3000  }
0xb3: {  	[dreg:$0x6] =	wrdreg $0x1DF000  }
0xb4: {  	[dreg:$0x7] =	wrdreg $0x9  }
0xb5: {  	_ =	task.clear_ibuf [dreg:s8], $0x8FFFF;
	_ =	strace $0x90000046  }
0xb6: {  	s29 =	simm.s32 $0x9;
	_ =	strace $0x80000048  }
0xb7: {  	_ =	swait.ge [sflag:s29], $0x1  }
0xb8: {  	[sflag:s29] =	ssyncadd.s32 $0xFFFFFFFF  }
0xb9: {  	_ =	strace $0x90000048  }
0xba: {  	_ =	sfence  }
0xbb: {  	s30 =	sld [smem:$0x0];
	_ =	sdelay $0x2  }
0xbc: {  	s31 =	sshll.u32 s1, $0xD;
	s1 =	sshrl.u32 s1, $0x2  }
0xbd: {  	s3 =	sand.u32 $0x4000, s31;
	s1 =	sadd.s32 s1, s30  }
0xbe: {  	s0 =	sor.u32 s3, s0;
	s1 =	sshll.u32 s1, $0x11  }
0xbf: {  	s0 =	sor.u32 s1, s0  }
0xc0: {  	s0 =	sadd.s32 $0x8F2B, s0  }
0xc1: {  	[sflag:s0] =	ssyncadd.remote.s32 $0x1  }
0xc2: {  	_ =	sfence.sel $0xFFFF  }
0xc3: {  	[dreg:$0x0] =	wrdreg $0xFFFFFFFF;
	(pc) =	sbr.abs _section_cstart, $3  }
0xc4: {  	[dreg:$0x1] =	wrdreg $0xFFFFFFFF  }
0xc5: {  	_ =	task.clear_ibuf [dreg:s8], $0x2FFFF;
	_ =	strace $0x9FFFFFFF  }
0xc6: {  	(tm) =	ssettm $0x7FFFFFFF  }
0xc7: {  	_ =	shalt  }
tec
execute0_lowered:
.L_overlay_start_1:
0x0: {  	(tag) =	ssettag $0x1  }
0x1: {  	s1 =	rddreg [dreg:$0x0]  }
0x2: {  	s10 =	rddreg [dreg:$0x1]  }
0x3: {  	s15 =	rddreg [dreg:$0x2]  }
0x4: {  	s2 =	rddreg [dreg:$0x3]  }
0x5: {  	s3 =	rddreg [dreg:$0x4]  }
0x6: {  	s4 =	srdreg.scid;
	s0 =	rddreg [dreg:$0x5];
	s5 =	simm.s32 $0x0  }
0x7: {  	s18 =	simm.s32 $0x9E00;
	s19 =	simm.s32 $0xA080;
	s20 =	simm.s32 $0x1000  }
0x8: {  	s21 =	simm.s32 $0x100;
	s22 =	simm.s32 $0x1;
	s23 =	simm.s32 $0x80  }
0x9: {  	s24 =	simm.s32 $0xA000;
	s12 =	sand.u32 $0x1, s4;
	s4 =	stileid.u32  }
0xa: {  	s25 =	simm.s32 $0x6000;
	[smem:$0x7FF] =	sst s5;
	s6 =	smul.u32 $0x13C000, s12  }
0xb: {  	s7 =	sshll.u32 s12, $0xE;
	s8 =	sshll.u32 s4, $0xA;
	s9 =	smul.u32 $0x13C00, s4  }
0xc: {  	s26 =	smul.u32 $0x4F000, s4;
	_ =	strace $0x80000047;
	s29 =	ssub.s32 $0x2, s12  }
0xd: {  	s16 =	smul.u32 $0x278, s4;
	p0 =	seq.s32 s12, $0x1;
	s11 =	sor.u32 s8, s7  }
0xe: {  	s31 =	sshrl.u32 s29, $0x1;
	s18 =	simm.s32 @!p0 $0x9800;
	s13 =	sadd.s32 s11, s15  }
0xf: {  	s6 =	sadd.s32 s9, s6;
	s30 =	sshrl.u32 s26, $0x2;
	s17 =	ssub.s32 s29, s31  }
0x10: {  	s9 =	sadd.s32 s16, s3;
	s10 =	sadd.s32 s10, s11;
	s16 =	sshrl.u32 s16, $0x3  }
0x11: {  	s18 =	sadd.s32 s18, s15;
	s26 =	simm.s32 $0x0;
	s28 =	sshrl.u32 s6, $0x3  }
0x12: {  	s6 =	sadd.s32 s30, s2;
	s11 =	sadd.s32 $0x1800, s13;
	s12 =	sadd.s32 $0x200, s10  }
0x13: {  	s13 =	sadd.s32 $0x1A00, s13;
	s16 =	sadd.s32 s18, s16;
	s18 =	simm.s32 $0x2  }
0x14: {  	s14 =	sadd.s32 s28, s15;
	s7 =	sadd.s32 $0x8000, s6;
	s8 =	sadd.s32 $0x10000, s6  }
0x15: {  	v0 =	vimm.f32 $0.0e+00;
	v1 =	vimm.f32 $1.000000000e+00;
	s15 =	smax.u32 s17, $0x1;
	s17 =	simm.s32 $0x2000;
	s14 =	sadd.s32 $0xA400, s14  }
.LBB2_1:
0x16: {  	s28 =	simm.s32 $0x0;
	s29 =	simm.s32 $0x200  }
.LBB2_2:
0x17: {  	p0 =	sne.s32 s29, $0x1FE00;
	[tilespmem:s28+$0x2070] =	vst v0  }
0x18: {  	[tilespmem:s28+$0x2000] =	vst v0  }
0x19: {  	[tilespmem:s28+$0x2010] =	vst v0  }
.Ltmp0:
0x1a: {  	[tilespmem:s28+$0x2020] =	vst v0;
	(pc) =	sbr.rel @p0 .LBB2_2-.Ltmp0, $4  }
0x1b: {  	[tilespmem:s28+$0x2030] =	vst v0  }
0x1c: {  	[tilespmem:s28+$0x2040] =	vst v0  }
0x1d: {  	[tilespmem:s28+$0x2050] =	vst v0  }
0x1e: {  	[tilespmem:s28+$0x2060] =	vst v0;
	s28 =	sshra.s32 s29, $0x2;
	s29 =	sadd.s32 $0x200, s29  }
0x1f: {  	[tilespmem:s28+$0x2070] =	vst v0  }
0x20: {  	[tilespmem:s28+$0x2000] =	vst v0  }
0x21: {  	[tilespmem:s28+$0x2010] =	vst v0  }
0x22: {  	[tilespmem:s28+$0x2020] =	vst v0  }
0x23: {  	[tilespmem:s28+$0x2030] =	vst v0  }
0x24: {  	[tilespmem:s28+$0x2040] =	vst v0  }
0x25: {  	[tilespmem:s28+$0x2050] =	vst v0  }
0x26: {  	[tilespmem:s28+$0x2060] =	vst v0  }
0x27: {  	[tilespmem:$0xA080] =	vst v0  }
0x28: {  	[tilespmem:$0xA090] =	vst v0  }
0x29: {  	[tilespmem:$0xA0A0] =	vst v0  }
0x2a: {  	[tilespmem:$0xA0B0] =	vst v0  }
0x2b: {  	[tilespmem:$0xA0C0] =	vst v0  }
0x2c: {  	[tilespmem:$0xA0D0] =	vst v0  }
0x2d: {  	[tilespmem:$0xA0E0] =	vst v0  }
0x2e: {  	[tilespmem:$0xA0F0] =	vst v0  }
0x2f: {  	[tilespmem:$0xA100] =	vst v0  }
0x30: {  	[tilespmem:$0xA110] =	vst v0  }
0x31: {  	[tilespmem:$0xA120] =	vst v0  }
0x32: {  	[tilespmem:$0xA130] =	vst v0  }
0x33: {  	[tilespmem:$0xA140] =	vst v0  }
0x34: {  	[tilespmem:$0xA150] =	vst v0  }
0x35: {  	[tilespmem:$0xA160] =	vst v0  }
0x36: {  	[tilespmem:$0xA170] =	vst v0  }
0x37: {  	[tilespmem:$0xA180] =	vst v0  }
0x38: {  	[tilespmem:$0xA190] =	vst v0  }
0x39: {  	[tilespmem:$0xA1A0] =	vst v0  }
0x3a: {  	[tilespmem:$0xA1B0] =	vst v0  }
0x3b: {  	[tilespmem:$0xA1C0] =	vst v0  }
0x3c: {  	[tilespmem:$0xA1D0] =	vst v0  }
0x3d: {  	[tilespmem:$0xA1E0] =	vst v0  }
0x3e: {  	[tilespmem:$0xA1F0] =	vst v0  }
0x3f: {  	[tilespmem:$0xA200] =	vst v0  }
0x40: {  	[tilespmem:$0xA210] =	vst v0  }
0x41: {  	[tilespmem:$0xA220] =	vst v0  }
0x42: {  	[tilespmem:$0xA230] =	vst v0  }
0x43: {  	[tilespmem:$0xA240] =	vst v0  }
0x44: {  	[tilespmem:$0xA250] =	vst v0  }
0x45: {  	[tilespmem:$0xA260] =	vst v0  }
0x46: {  	[tilespmem:$0xA270] =	vst v0  }
0x47: {  	[tilespmem:$0xA280] =	vst v0  }
0x48: {  	[tilespmem:$0xA290] =	vst v0  }
0x49: {  	[tilespmem:$0xA2A0] =	vst v0  }
0x4a: {  	[tilespmem:$0xA2B0] =	vst v0  }
0x4b: {  	[tilespmem:$0xA2C0] =	vst v0  }
0x4c: {  	[tilespmem:$0xA2D0] =	vst v0  }
0x4d: {  	[tilespmem:$0xA2E0] =	vst v0  }
0x4e: {  	[tilespmem:$0xA000] =	vst v1  }
0x4f: {  	[tilespmem:$0xA010] =	vst v1  }
0x50: {  	[tilespmem:$0xA020] =	vst v1  }
0x51: {  	[tilespmem:$0xA030] =	vst v1  }
0x52: {  	[tilespmem:$0xA040] =	vst v1  }
0x53: {  	[tilespmem:$0xA050] =	vst v1  }
0x54: {  	[tilespmem:$0xA060] =	vst v1  }
0x55: {  	[tilespmem:$0xA070] =	vst v1  }
0x56: {  	[spmem:s6] =	stream.linear.scatter [tilespmem:s17], [sflag:$0x2], $0x8000, $0x38;
	[tilespmem:$0x1E178] =	vst v63  }
0x57: {  	_ =	swait.ge [sflag:s18], $0x8000  }
0x58: {  	[sflag:s18] =	ssyncset.done $0x0  }
0x59: {  	[sflag:s18] =	ssyncadd.s32 $0xFFFF8000  }
0x5a: {  	[spmem:s7] =	stream.linear.scatter [tilespmem:s17], [sflag:$0x2], $0x8000, $0x38;
	[tilespmem:$0x1E178] =	vst v63  }
0x5b: {  	_ =	swait.ge [sflag:s18], $0x8000  }
0x5c: {  	[sflag:s18] =	ssyncset.done $0x0  }
0x5d: {  	[sflag:s18] =	ssyncadd.s32 $0xFFFF8000  }
0x5e: {  	[spmem:s8] =	stream.linear.scatter [tilespmem:s17], [sflag:$0x2], $0x3C00, $0x38;
	[tilespmem:$0x1E178] =	vst v63  }
0x5f: {  	_ =	swait.ge [sflag:s18], $0x3C00  }
0x60: {  	[sflag:s18] =	ssyncset.done $0x0  }
0x61: {  	[sflag:s18] =	ssyncadd.s32 $0xFFFFC400  }
0x62: {  	[spmem:s9] =	stream.linear.scatter [tilespmem:s19], [sflag:$0x2], $0x278, $0x38;
	[tilespmem:$0x1E178] =	vst v63  }
0x63: {  	_ =	swait.ge [sflag:s18], $0x278  }
0x64: {  	[sflag:s18] =	ssyncset.done $0x0  }
0x65: {  	[sflag:s18] =	ssyncadd.s32 $0xFFFFFD88  }
0x66: {  	s28 =	simm.s32 $0x0;
	[bflag:$0x0] =	sbarrier.arrive $0xFFFF  }
0x67: {  	[tilespmem:s28], [sflag:$0x2] =	stream.linear.gather [hbm4b:s10+s28], $0x1000, $0x38;
	[tilespmem:$0x1E178] =	vst v63  }
0x68: {  	_ =	swait.ge [sflag:s18], $0x1000  }
0x69: {  	[sflag:s18] =	ssyncset.done $0x0  }
0x6a: {  	[sflag:s18] =	ssyncadd.s32 $0xFFFFF000  }
0x6b: {  	[tilespmem:s20], [sflag:$0x2] =	stream.linear.gather [hbm4b:s11+s28], $0x1000, $0x38;
	[tilespmem:$0x1E178] =	vst v63  }
0x6c: {  	_ =	swait.ge [sflag:s18], $0x1000  }
0x6d: {  	[sflag:s18] =	ssyncset.done $0x0  }
0x6e: {  	s28 =	simm.s32 $0x0;
	[sflag:s18] =	ssyncadd.s32 $0xFFFFF000  }
0x6f: {  	[tilespmem:s17], [sflag:$0x1] =	stream.indirect.gather [hbm4b:s1+s21], $0x80, s28, s21, $0xb8;
	[tilespmem:$0x1E178] =	vst v63  }
0x70: {  	_ =	swait.ge [sflag:s22], $0x8000  }
0x71: {  	[sflag:s22] =	ssyncset.done $0x0  }
0x72: {  	s28 =	simm.s32 $0x1000;
	[sflag:s22] =	ssyncadd.s32 $0xFFFF8000  }
0x73: {  	[spmem:s2] =	stream.indirect.scatter.add.f32 [tilespmem:s17], [sflag:$0x2], $0x80, s28, s23, $0xb8;
	[tilespmem:$0x1E178] =	vst v63  }
0x74: {  	_ =	swait.ge [sflag:s18], $0x4000  }
0x75: {  	[sflag:s18] =	ssyncset.done $0x0  }
0x76: {  	[sflag:s18] =	ssyncadd.s32 $0xFFFFC000  }
0x77: {  	[spmem:s3] =	stream.indirect.scatter.add.f32 [tilespmem:s24], [sflag:$0x2], $0x1, s28, s23, $0xb8;
	[tilespmem:$0x1E178] =	vst v63  }
0x78: {  	_ =	swait.ge [sflag:s18], $0x80  }
0x79: {  	[sflag:s18] =	ssyncset.done $0x0  }
0x7a: {  	s28 =	simm.s32 $0x1080;
	[sflag:s18] =	ssyncadd.s32 $0xFFFFFF80  }
0x7b: {  	[spmem:s2] =	stream.indirect.scatter.add.f32 [tilespmem:s25], [sflag:$0x2], $0x80, s28, s23, $0xb8;
	[tilespmem:$0x1E178] =	vst v63  }
0x7c: {  	_ =	swait.ge [sflag:s18], $0x4000  }
0x7d: {  	[sflag:s18] =	ssyncset.done $0x0  }
0x7e: {  	[sflag:s18] =	ssyncadd.s32 $0xFFFFC000  }
0x7f: {  	[spmem:s3] =	stream.indirect.scatter.add.f32 [tilespmem:s24], [sflag:$0x2], $0x1, s28, s23, $0xb8;
	[tilespmem:$0x1E178] =	vst v63  }
0x80: {  	_ =	swait.ge [sflag:s18], $0x80  }
0x81: {  	s29 =	simm.s32 $0x800;
	s28 =	simm.s32 $0x400;
	[sflag:s18] =	ssyncset.done $0x0  }
.LBB2_4:
0x82: {  	s30 =	sshra.s32 s28, $0x2  }
0x83: {  	[sflag:s18] =	ssyncadd.s32 $0xFFFFFF80;
	s28 =	smov.u32 s29;
	s31 =	sadd.s32 $0x400, s29  }
0x84: {  	[tilespmem:s17], [sflag:$0x1] =	stream.indirect.gather [hbm4b:s1+s21], $0x80, s30, s21, $0xb8;
	[tilespmem:$0x1E178] =	vst v63  }
0x85: {  	p0 =	sne.s32 s29, $0x3C00;
	_ =	swait.ge [sflag:s22], $0x8000  }
0x86: {  	[sflag:s22] =	ssyncset.done $0x0  }
0x87: {  	s29 =	sadd.s32 $0x1000, s30;
	[sflag:s22] =	ssyncadd.s32 $0xFFFF8000  }
0x88: {  	[spmem:s2] =	stream.indirect.scatter.add.f32 [tilespmem:s17], [sflag:$0x2], $0x80, s29, s23, $0xb8;
	[tilespmem:$0x1E178] =	vst v63  }
0x89: {  	_ =	swait.ge [sflag:s18], $0x4000  }
0x8a: {  	[sflag:s18] =	ssyncset.done $0x0  }
0x8b: {  	[sflag:s18] =	ssyncadd.s32 $0xFFFFC000  }
0x8c: {  	[spmem:s3] =	stream.indirect.scatter.add.f32 [tilespmem:s24], [sflag:$0x2], $0x1, s29, s23, $0xb8;
	[tilespmem:$0x1E178] =	vst v63  }
0x8d: {  	_ =	swait.ge [sflag:s18], $0x80  }
0x8e: {  	[sflag:s18] =	ssyncset.done $0x0  }
0x8f: {  	s29 =	sadd.s32 $0x1080, s30;
	[sflag:s18] =	ssyncadd.s32 $0xFFFFFF80  }
0x90: {  	[spmem:s2] =	stream.indirect.scatter.add.f32 [tilespmem:s25], [sflag:$0x2], $0x80, s29, s23, $0xb8;
	[tilespmem:$0x1E178] =	vst v63  }
0x91: {  	_ =	swait.ge [sflag:s18], $0x4000  }
.Ltmp1:
0x92: {  	[sflag:s18] =	ssyncset.done $0x0;
	(pc) =	sbr.rel @p0 .LBB2_4-.Ltmp1, $4  }
0x93: {  	[sflag:s18] =	ssyncadd.s32 $0xFFFFC000  }
0x94: {  	[spmem:s3] =	stream.indirect.scatter.add.f32 [tilespmem:s24], [sflag:$0x2], $0x1, s29, s23, $0xb8;
	[tilespmem:$0x1E178] =	vst v63  }
0x95: {  	_ =	swait.ge [sflag:s18], $0x80  }
0x96: {  	s29 =	smov.u32 s31;
	[sflag:s18] =	ssyncset.done $0x0  }
0x97: {  	s28 =	sshra.s32 s28, $0x2;
	[sflag:s18] =	ssyncadd.s32 $0xFFFFFF80  }
0x98: {  	[tilespmem:s17], [sflag:$0x1] =	stream.indirect.gather [hbm4b:s1+s21], $0x80, s28, s21, $0xb8;
	[tilespmem:$0x1E178] =	vst v63  }
0x99: {  	_ =	swait.ge [sflag:s22], $0x8000  }
0x9a: {  	[sflag:s22] =	ssyncset.done $0x0  }
0x9b: {  	s29 =	sadd.s32 $0x1000, s28;
	[sflag:s22] =	ssyncadd.s32 $0xFFFF8000  }
0x9c: {  	[spmem:s2] =	stream.indirect.scatter.add.f32 [tilespmem:s17], [sflag:$0x2], $0x80, s29, s23, $0xb8;
	[tilespmem:$0x1E178] =	vst v63  }
0x9d: {  	_ =	swait.ge [sflag:s18], $0x4000  }
0x9e: {  	[sflag:s18] =	ssyncset.done $0x0  }
0x9f: {  	[sflag:s18] =	ssyncadd.s32 $0xFFFFC000  }
0xa0: {  	[spmem:s3] =	stream.indirect.scatter.add.f32 [tilespmem:s24], [sflag:$0x2], $0x1, s29, s23, $0xb8;
	[tilespmem:$0x1E178] =	vst v63  }
0xa1: {  	_ =	swait.ge [sflag:s18], $0x80  }
0xa2: {  	[sflag:s18] =	ssyncset.done $0x0  }
0xa3: {  	s28 =	sadd.s32 $0x1080, s28;
	[sflag:s18] =	ssyncadd.s32 $0xFFFFFF80  }
0xa4: {  	[spmem:s2] =	stream.indirect.scatter.add.f32 [tilespmem:s25], [sflag:$0x2], $0x80, s28, s23, $0xb8;
	[tilespmem:$0x1E178] =	vst v63  }
0xa5: {  	_ =	swait.ge [sflag:s18], $0x4000  }
0xa6: {  	[sflag:s18] =	ssyncset.done $0x0  }
0xa7: {  	[sflag:s18] =	ssyncadd.s32 $0xFFFFC000  }
0xa8: {  	[spmem:s3] =	stream.indirect.scatter.add.f32 [tilespmem:s24], [sflag:$0x2], $0x1, s28, s23, $0xb8;
	[tilespmem:$0x1E178] =	vst v63  }
0xa9: {  	_ =	swait.ge [sflag:s18], $0x80  }
0xaa: {  	[sflag:s18] =	ssyncset.done $0x0  }
0xab: {  	s28 =	simm.s32 $0x0;
	[sflag:s18] =	ssyncadd.s32 $0xFFFFFF80  }
0xac: {  	[tilespmem:s28], [sflag:$0x2] =	stream.linear.gather [hbm4b:s12+s28], $0x1000, $0x38;
	[tilespmem:$0x1E178] =	vst v63  }
0xad: {  	_ =	swait.ge [sflag:s18], $0x1000  }
0xae: {  	[sflag:s18] =	ssyncset.done $0x0  }
0xaf: {  	[sflag:s18] =	ssyncadd.s32 $0xFFFFF000  }
0xb0: {  	[tilespmem:s20], [sflag:$0x2] =	stream.linear.gather [hbm4b:s13+s28], $0x1000, $0x38;
	[tilespmem:$0x1E178] =	vst v63  }
0xb1: {  	_ =	swait.ge [sflag:s18], $0x1000  }
0xb2: {  	[sflag:s18] =	ssyncset.done $0x0  }
0xb3: {  	s28 =	simm.s32 $0x0;
	[sflag:s18] =	ssyncadd.s32 $0xFFFFF000  }
0xb4: {  	[tilespmem:s17], [sflag:$0x1] =	stream.indirect.gather [hbm4b:s1+s21], $0x80, s28, s21, $0xb8;
	[tilespmem:$0x1E178] =	vst v63  }
0xb5: {  	_ =	swait.ge [sflag:s22], $0x8000  }
0xb6: {  	[sflag:s22] =	ssyncset.done $0x0  }
0xb7: {  	s28 =	simm.s32 $0x1000;
	[sflag:s22] =	ssyncadd.s32 $0xFFFF8000  }
0xb8: {  	[spmem:s2] =	stream.indirect.scatter.add.f32 [tilespmem:s17], [sflag:$0x2], $0x80, s28, s23, $0xb8;
	[tilespmem:$0x1E178] =	vst v63  }
0xb9: {  	_ =	swait.ge [sflag:s18], $0x4000  }
0xba: {  	[sflag:s18] =	ssyncset.done $0x0  }
0xbb: {  	[sflag:s18] =	ssyncadd.s32 $0xFFFFC000  }
0xbc: {  	[spmem:s3] =	stream.indirect.scatter.add.f32 [tilespmem:s24], [sflag:$0x2], $0x1, s28, s23, $0xb8;
	[tilespmem:$0x1E178] =	vst v63  }
0xbd: {  	_ =	swait.ge [sflag:s18], $0x80  }
0xbe: {  	[sflag:s18] =	ssyncset.done $0x0  }
0xbf: {  	s28 =	simm.s32 $0x1080;
	[sflag:s18] =	ssyncadd.s32 $0xFFFFFF80  }
0xc0: {  	[spmem:s2] =	stream.indirect.scatter.add.f32 [tilespmem:s25], [sflag:$0x2], $0x80, s28, s23, $0xb8;
	[tilespmem:$0x1E178] =	vst v63  }
0xc1: {  	_ =	swait.ge [sflag:s18], $0x4000  }
0xc2: {  	[sflag:s18] =	ssyncset.done $0x0  }
0xc3: {  	[sflag:s18] =	ssyncadd.s32 $0xFFFFC000  }
0xc4: {  	[spmem:s3] =	stream.indirect.scatter.add.f32 [tilespmem:s24], [sflag:$0x2], $0x1, s28, s23, $0xb8;
	[tilespmem:$0x1E178] =	vst v63  }
0xc5: {  	_ =	swait.ge [sflag:s18], $0x80  }
0xc6: {  	s29 =	simm.s32 $0x800;
	s28 =	simm.s32 $0x400;
	[sflag:s18] =	ssyncset.done $0x0  }
.LBB2_6:
0xc7: {  	s30 =	sshra.s32 s28, $0x2  }
0xc8: {  	[sflag:s18] =	ssyncadd.s32 $0xFFFFFF80;
	s28 =	smov.u32 s29;
	s31 =	sadd.s32 $0x400, s29  }
0xc9: {  	[tilespmem:s17], [sflag:$0x1] =	stream.indirect.gather [hbm4b:s1+s21], $0x80, s30, s21, $0xb8;
	[tilespmem:$0x1E178] =	vst v63  }
0xca: {  	p0 =	sne.s32 s29, $0x3C00;
	_ =	swait.ge [sflag:s22], $0x8000  }
0xcb: {  	[sflag:s22] =	ssyncset.done $0x0  }
0xcc: {  	s29 =	sadd.s32 $0x1000, s30;
	[sflag:s22] =	ssyncadd.s32 $0xFFFF8000  }
0xcd: {  	[spmem:s2] =	stream.indirect.scatter.add.f32 [tilespmem:s17], [sflag:$0x2], $0x80, s29, s23, $0xb8;
	[tilespmem:$0x1E178] =	vst v63  }
0xce: {  	_ =	swait.ge [sflag:s18], $0x4000  }
0xcf: {  	[sflag:s18] =	ssyncset.done $0x0  }
0xd0: {  	[sflag:s18] =	ssyncadd.s32 $0xFFFFC000  }
0xd1: {  	[spmem:s3] =	stream.indirect.scatter.add.f32 [tilespmem:s24], [sflag:$0x2], $0x1, s29, s23, $0xb8;
	[tilespmem:$0x1E178] =	vst v63  }
0xd2: {  	_ =	swait.ge [sflag:s18], $0x80  }
0xd3: {  	[sflag:s18] =	ssyncset.done $0x0  }
0xd4: {  	s29 =	sadd.s32 $0x1080, s30;
	[sflag:s18] =	ssyncadd.s32 $0xFFFFFF80  }
0xd5: {  	[spmem:s2] =	stream.indirect.scatter.add.f32 [tilespmem:s25], [sflag:$0x2], $0x80, s29, s23, $0xb8;
	[tilespmem:$0x1E178] =	vst v63  }
0xd6: {  	_ =	swait.ge [sflag:s18], $0x4000  }
.Ltmp2:
0xd7: {  	[sflag:s18] =	ssyncset.done $0x0;
	(pc) =	sbr.rel @p0 .LBB2_6-.Ltmp2, $4  }
0xd8: {  	[sflag:s18] =	ssyncadd.s32 $0xFFFFC000  }
0xd9: {  	[spmem:s3] =	stream.indirect.scatter.add.f32 [tilespmem:s24], [sflag:$0x2], $0x1, s29, s23, $0xb8;
	[tilespmem:$0x1E178] =	vst v63  }
0xda: {  	_ =	swait.ge [sflag:s18], $0x80  }
0xdb: {  	s29 =	smov.u32 s31;
	[sflag:s18] =	ssyncset.done $0x0  }
0xdc: {  	s28 =	sshra.s32 s28, $0x2;
	[sflag:s18] =	ssyncadd.s32 $0xFFFFFF80  }
0xdd: {  	[tilespmem:s17], [sflag:$0x1] =	stream.indirect.gather [hbm4b:s1+s21], $0x80, s28, s21, $0xb8;
	[tilespmem:$0x1E178] =	vst v63  }
0xde: {  	_ =	swait.ge [sflag:s22], $0x8000  }
0xdf: {  	[sflag:s22] =	ssyncset.done $0x0  }
0xe0: {  	s29 =	sadd.s32 $0x1000, s28;
	[sflag:s22] =	ssyncadd.s32 $0xFFFF8000  }
0xe1: {  	[spmem:s2] =	stream.indirect.scatter.add.f32 [tilespmem:s17], [sflag:$0x2], $0x80, s29, s23, $0xb8;
	[tilespmem:$0x1E178] =	vst v63  }
0xe2: {  	_ =	swait.ge [sflag:s18], $0x4000  }
0xe3: {  	[sflag:s18] =	ssyncset.done $0x0  }
0xe4: {  	[sflag:s18] =	ssyncadd.s32 $0xFFFFC000  }
0xe5: {  	[spmem:s3] =	stream.indirect.scatter.add.f32 [tilespmem:s24], [sflag:$0x2], $0x1, s29, s23, $0xb8;
	[tilespmem:$0x1E178] =	vst v63  }
0xe6: {  	_ =	swait.ge [sflag:s18], $0x80  }
0xe7: {  	[sflag:s18] =	ssyncset.done $0x0  }
0xe8: {  	s28 =	sadd.s32 $0x1080, s28;
	[sflag:s18] =	ssyncadd.s32 $0xFFFFFF80  }
0xe9: {  	[spmem:s2] =	stream.indirect.scatter.add.f32 [tilespmem:s25], [sflag:$0x2], $0x80, s28, s23, $0xb8;
	[tilespmem:$0x1E178] =	vst v63  }
0xea: {  	_ =	swait.ge [sflag:s18], $0x4000  }
0xeb: {  	[sflag:s18] =	ssyncset.done $0x0  }
0xec: {  	[sflag:s18] =	ssyncadd.s32 $0xFFFFC000  }
0xed: {  	[spmem:s3] =	stream.indirect.scatter.add.f32 [tilespmem:s24], [sflag:$0x2], $0x1, s28, s23, $0xb8;
	[tilespmem:$0x1E178] =	vst v63  }
0xee: {  	_ =	swait.ge [sflag:s18], $0x80  }
0xef: {  	[sflag:s18] =	ssyncset.done $0x0  }
0xf0: {  	s30 =	sshll.u32 s4, $0x6;
	[sflag:s18] =	ssyncadd.s32 $0xFFFFFF80  }
0xf1: {  	s31 =	sshrl.u32 s6, $0x3;
	s28 =	sor.u32 $0x1C02, s30;
	[bflag:$0x0] =	sbarrier.arrive $0xFFFF  }
0xf2: {  	[hbm:s14], [sflag:s28] =	dma.local [spmem:s31], $0x2780  }
0xf3: {  	_ =	swait.ge [sflag:s18], $0x2780  }
0xf4: {  	[sflag:s18] =	ssyncset.done $0x0  }
0xf5: {  	[sflag:s18] =	ssyncadd.s32 $0xFFFFD880  }
0xf6: {  	[tilespmem:s19], [sflag:$0x2] =	stream.linear.gather [spmem:s9], $0x278, $0x38;
	[tilespmem:$0x1E178] =	vst v63  }
0xf7: {  	s26 =	sadd.s32 $0x1, s26;
	_ =	swait.ge [sflag:s18], $0x278  }
0xf8: {  	p0 =	sne.s32 s26, s15;
	[sflag:s18] =	ssyncset.done $0x0  }
.Ltmp3:
0xf9: {  	[sflag:s18] =	ssyncadd.s32 $0xFFFFFD88;
	(pc) =	sbr.rel @p0 .LBB2_1-.Ltmp3, $4  }
0xfa: {  	[hbm4b:s16+s5] =	stream.linear.scatter [tilespmem:s19], [sflag:$0x2], $0x278, $0x38;
	[tilespmem:$0x1E178] =	vst v63  }
0xfb: {  	_ =	swait.ge [sflag:s18], $0x278  }
0xfc: {  	[sflag:s18] =	ssyncset.done $0x0  }
0xfd: {  	[sflag:s18] =	ssyncadd.s32 $0xFFFFFD88  }
0xfe: {  	_ =	sfence.sel $0x180000  }
0xff: {  	[bflag:$0x0] =	sbarrier.arrive $0xFFFF  }
0x100: {  	p0 =	sne.s32 s4, $0x0;
	_ =	strace $0x90000047  }
0x101: {  	s0 =	sadd.s32 @!p0 $0x100000, s0;
	[bflag:$0x2] =	sbarrier.arrive $0xFFFF  }
0x102: {  	[sflag:s0] =	ssyncadd.tile.s32 @!p0 $0x1;
	_ =	shalt  }
.Lfunc_end2:
_tile_overlayer_lowered:
.L_overlay_start_2:
0x103: {  	(tag) =	ssettag $0x2  }
0x104: {  	s0 =	rddreg [dreg:$0x0];
	s2 =	stileid.u32  }
0x105: {  	s1 =	rddreg [dreg:$0x1];
	p0 =	sne.s32 s2, $0x0  }
0x106: {  	s3 =	rddreg [dreg:$0x2];
	[bflag:$0x3] =	sbarrier.arrive $0xFFFF;
	s2 =	simm.s32 @!p0 $0x1C02  }
0x107: {  	[timem:s3], [sflag:s2] =	dma.local @!p0 [hbm:s0], s1  }
0x108: {  	s0 =	simm.s32 @!p0 $0x2  }
0x109: {  	_ =	swait.ge @!p0 [sflag:s0], s1  }
0x10a: {  	s1 =	ssub.s32 @!p0 $0x0, s1;
	[sflag:s0] =	ssyncset.done @!p0 $0x0  }
0x10b: {  	[sflag:s0] =	ssyncadd.s32 @!p0 s1  }
0x10c: {  	[bflag:$0x3] =	sbarrier.arrive $0xFFFF  }
0x10d: {  	_ =	shalt  }

</sc_bundles>
